<compile_context>
chip_gen: v7x
topology: tpu7x:2x2x1
jax: 0.10.2.dev20260603
libtpu: 0.0.44.dev20260713+nightly
codegen_flags: <defaults>
</compile_context>

<pallas_src>
import functools

import jax
import jax.numpy as jnp
from jax import lax
from jax.experimental import pallas as pl
from jax.experimental.pallas import tpu as pltpu
from jax.experimental.pallas import tpu_sc as plsc

N_NODES = 10000
N_EDGES = 320000
D = 128
NC = 2
NS = 16
NW = NC * NS
E_PER_W = N_EDGES // NW
CHUNK = 80
N_CHUNKS = E_PER_W // CHUNK
N_PAIRS = (N_CHUNKS - 1) // 2
N_PAD = 10240
ROWS_PER_TILE = N_PAD // NS
HR = 80


def _sc_aggregate(h, src3, dst3, zsum):
    mesh = plsc.VectorSubcoreMesh(core_axis_name="c", subcore_axis_name="s")

    @functools.partial(
        pl.kernel,
        mesh=mesh,
        compiler_params=pltpu.CompilerParams(needs_layout_passes=False),
        out_type=[
            jax.ShapeDtypeStruct((NC * N_PAD, D), jnp.float32),
            jax.ShapeDtypeStruct((NC * NS * HR, D), jnp.float32),
        ],
        scratch_types=[
            pltpu.VMEM((CHUNK,), jnp.int32),
            pltpu.VMEM((CHUNK,), jnp.int32),
            pltpu.VMEM((N_CHUNKS, CHUNK), jnp.int32),
            pltpu.VMEM((CHUNK, D), jnp.float32),
            pltpu.VMEM((CHUNK, D), jnp.float32),
            pltpu.VMEM((HR, D), jnp.float32),
            pltpu.VMEM_SHARED((N_PAD, D), jnp.float32),
            pltpu.SemaphoreType.DMA,
            pltpu.SemaphoreType.DMA,
            pltpu.SemaphoreType.DMA,
            pltpu.SemaphoreType.DMA,
        ],
    )
    def agg(h_hbm, src_hbm, dst_hbm, zsum_hbm,
            outs_hbm, outd_hbm,
            s0, s1, idx_d, rows0, rows1, hist, sum_sh,
            sem0, sem1, semi0, semi1):
        c = lax.axis_index("c")
        s = lax.axis_index("s")
        wid = s * NC + c

        r0 = s * ROWS_PER_TILE
        my_acc = sum_sh.at[pl.ds(r0, ROWS_PER_TILE)]
        zslice = zsum_hbm.at[pl.ds(r0, ROWS_PER_TILE)]

        pltpu.sync_copy(dst_hbm.at[wid], idx_d)
        pltpu.sync_copy(src_hbm.at[wid, 0], s0)
        pltpu.sync_copy(src_hbm.at[wid, 1], s1)
        pltpu.sync_copy(zsum_hbm.at[pl.ds(0, HR)], hist)

        pltpu.sync_copy(zslice, my_acc)
        plsc.subcore_barrier()

        def hist_chunk(i):
            for j in range(CHUNK // 16):
                iv = idx_d[i, pl.ds(j * 16, 16)]
                cnt, last = plsc.scan_count(iv)
                plsc.addupdate_scatter(
                    hist,
                    [lax.shift_right_logical(iv, 7),
                     lax.bitwise_and(iv, 127)],
                    cnt.astype(jnp.float32), mask=last)

        pltpu.async_copy(h_hbm.at[s0], rows0, sem0)
        pltpu.async_copy(h_hbm.at[s1], rows1, sem1)

        def pair(k, carry):
            i0 = k * 2
            pltpu.make_async_copy(h_hbm.at[s0], rows0, sem0).wait()
            pltpu.async_copy(src_hbm.at[wid, i0 + 2], s0, semi0)
            hist_chunk(i0)
            pltpu.sync_copy(rows0, sum_sh.at[idx_d.at[i0]], add=True)
            pltpu.make_async_copy(src_hbm.at[wid, i0 + 2], s0, semi0).wait()
            pltpu.async_copy(h_hbm.at[s0], rows0, sem0)
            pltpu.make_async_copy(h_hbm.at[s1], rows1, sem1).wait()
            nxt = lax.min(i0 + 3, N_CHUNKS - 1)
            pltpu.async_copy(src_hbm.at[wid, nxt], s1, semi1)
            hist_chunk(i0 + 1)
            pltpu.sync_copy(rows1, sum_sh.at[idx_d.at[i0 + 1]], add=True)
            pltpu.make_async_copy(src_hbm.at[wid, nxt], s1, semi1).wait()
            pltpu.async_copy(h_hbm.at[s1], rows1, sem1)
            return carry

        lax.fori_loop(0, N_PAIRS, pair, 0)
        last_c = N_CHUNKS - 1
        pltpu.make_async_copy(h_hbm.at[s0], rows0, sem0).wait()
        hist_chunk(last_c)
        pltpu.sync_copy(rows0, sum_sh.at[idx_d.at[last_c]], add=True)
        pltpu.make_async_copy(h_hbm.at[s1], rows1, sem1).wait()
        plsc.subcore_barrier()

        out_r0 = c * N_PAD + r0
        pltpu.sync_copy(my_acc, outs_hbm.at[pl.ds(out_r0, ROWS_PER_TILE)])
        pltpu.sync_copy(hist, outd_hbm.at[pl.ds((c * NS + s) * HR, HR)])

    return agg(h, src3, dst3, zsum)


def _tc_body(h_ref, ps_ref, pd_ref, ws_ref, wn_ref, bs_ref, g_ref, be_ref,
             o_ref):
    summed = ps_ref[0:N_NODES, :] + ps_ref[N_PAD:N_PAD + N_NODES, :]
    packed = pd_ref[0:HR, :]
    for w in range(1, NC * NS):
        packed = packed + pd_ref[w * HR:(w + 1) * HR, :]
    rowsel = (lax.broadcasted_iota(jnp.int32, (N_NODES, HR), 0) // D
              == lax.broadcasted_iota(jnp.int32, (N_NODES, HR), 1)
              ).astype(jnp.float32)
    lanesel = (lax.broadcasted_iota(jnp.int32, (N_NODES, D), 0) % D
               == lax.broadcasted_iota(jnp.int32, (N_NODES, D), 1)
               ).astype(jnp.float32)
    q = lax.dot_general(rowsel, packed, (((1,), (0,)), ((), ())),
                        precision=lax.Precision.HIGHEST,
                        preferred_element_type=jnp.float32)
    deg = jnp.sum(q * lanesel, axis=1, keepdims=True)
    neigh = summed / jnp.maximum(deg, 1.0)
    dn = (((1,), (1,)), ((), ()))
    out = (lax.dot_general(h_ref[...], ws_ref[...], dn,
                           preferred_element_type=jnp.float32)
           + lax.dot_general(neigh, wn_ref[...], dn,
                             preferred_element_type=jnp.float32)
           + bs_ref[...])
    mean = jnp.mean(out, axis=0, keepdims=True)
    var = jnp.mean(jnp.square(out - mean), axis=0, keepdims=True)
    o_ref[...] = jnp.maximum(
        g_ref[...] * (out - mean) * lax.rsqrt(var + 1e-5) + be_ref[...], 0.0)


def kernel(h, edge_index, W_self, b_self, W_neigh, gamma, beta):
    src = edge_index[0].astype(jnp.int32).reshape(NW, N_CHUNKS, CHUNK)
    dst = edge_index[1].astype(jnp.int32).reshape(NW, N_CHUNKS, CHUNK)
    zsum = jnp.zeros((N_PAD, D), jnp.float32)

    psum, pdeg = _sc_aggregate(h, src, dst, zsum)

    out = pl.pallas_call(
        _tc_body,
        out_shape=jax.ShapeDtypeStruct((N_NODES, D), jnp.float32),
    )(h, psum, pdeg, W_self, W_neigh,
      b_self.reshape(1, D), gamma.reshape(1, D), beta.reshape(1, D))
    return out

# --- scband reference (transcript-rebuilt; emitter-appended) ---
"""Pipeline reference for scband-graph-sagelayer-15779709845544 (READ-ONLY COPY).

The authoritative reference and input builder live on the scoring server;
editing this copy changes nothing except your own understanding.
"""

import jax, jax.numpy as jnp
import numpy as np

N_NODES = 10000
N_EDGES = 320000
D_IN = 128
D_OUT = 128

def setup_inputs(seed: int = 0) -> dict:
    key = jax.random.key(seed)
    k1, k2, k3, k4 = jax.random.split(key, 4)
    h = jax.random.normal(k1, (N_NODES, D_IN), dtype=jnp.float32)
    edge_index = jax.random.randint(k2, (2, N_EDGES), 0, N_NODES, dtype=jnp.int64)
    # Xavier-uniform linear weights (torch Linear stores [out, in])
    limit_self = float(np.sqrt(6.0 / (D_IN + D_OUT)))
    W_self = jax.random.uniform(k3, (D_OUT, D_IN), minval=-limit_self, maxval=limit_self, dtype=jnp.float32)
    b_self = jnp.zeros((D_OUT,), dtype=jnp.float32)
    W_neigh = jax.random.uniform(k4, (D_OUT, D_IN), minval=-limit_self, maxval=limit_self, dtype=jnp.float32)
    gamma = jnp.ones((D_OUT,), dtype=jnp.float32)
    beta = jnp.zeros((D_OUT,), dtype=jnp.float32)
    return {"h": h, "edge_index": edge_index, "W_self": W_self, "b_self": b_self,
            "W_neigh": W_neigh, "gamma": gamma, "beta": beta}

def reference(h, edge_index, W_self, b_self, W_neigh, gamma, beta):
    # GraphSAGE mean aggregator: neigh[v] = mean over incoming edges of h[src]
    src = edge_index[0]
    dst = edge_index[1]
    N = h.shape[0]
    msg = jnp.take(h, src, axis=0)                         # gather [E, d]
    summed = jax.ops.segment_sum(msg, dst, num_segments=N) # scatter-add [N, d]
    ones = jnp.ones((edge_index.shape[1],), dtype=h.dtype)
    deg = jax.ops.segment_sum(ones, dst, num_segments=N)   # in-degree
    neigh = summed / jnp.maximum(deg, 1.0)[:, None]        # zero-degree nodes -> 0
    out = h @ W_self.T + b_self + neigh @ W_neigh.T
    # BatchNorm1d in training mode (batch statistics)
    mean = jnp.mean(out, axis=0)
    var = jnp.var(out, axis=0)
    out = gamma * (out - mean) / jnp.sqrt(var + 1e-5) + beta
    # ReLU activation; dropout p=0.0 is identity
    return jax.nn.relu(out)

if __name__ == "__main__":
    import jax
    _d = setup_inputs()
    print(jax.jit(kernel)(*tuple(_d.values())))

</pallas_src>

<mosaic_0001>
#map = affine_map<(d0, d1) -> (0, 0)>
#map1 = affine_map<(d0, d1) -> (0, 0, 0)>
module attributes {stable_mosaic.version = 14 : i64} {
  func.func @agg(%arg0: i32, %arg1: i32, %arg2: memref<10000x128xf32, #tpu.memory_space<hbm>>, %arg3: memref<32x125x80xi32, #tpu.memory_space<hbm>>, %arg4: memref<32x125x80xi32, #tpu.memory_space<hbm>>, %arg5: memref<10240x128xf32, #tpu.memory_space<hbm>>, %arg6: memref<20480x128xf32, #tpu.memory_space<hbm>>, %arg7: memref<2560x128xf32, #tpu.memory_space<hbm>>, %arg8: memref<80xi32, #tpu.memory_space<vmem>>, %arg9: memref<80xi32, #tpu.memory_space<vmem>>, %arg10: memref<125x80xi32, #tpu.memory_space<vmem>>, %arg11: memref<80x128xf32, #tpu.memory_space<vmem>>, %arg12: memref<80x128xf32, #tpu.memory_space<vmem>>, %arg13: memref<80x128xf32, #tpu.memory_space<vmem>>, %arg14: memref<10240x128xf32, #tpu.memory_space<vmem_shared>>, %arg15: memref<!tpu.dma_semaphore, #tpu.memory_space<semaphore_mem>>, %arg16: memref<!tpu.dma_semaphore, #tpu.memory_space<semaphore_mem>>, %arg17: memref<!tpu.dma_semaphore, #tpu.memory_space<semaphore_mem>>, %arg18: memref<!tpu.dma_semaphore, #tpu.memory_space<semaphore_mem>>) attributes {dimension_semantics = [#tpu.dimension_semantics<core_parallel>, #tpu.dimension_semantics<subcore_parallel>], iteration_bounds = array<i64: 2, 16>, scalar_prefetch = 0 : i64, scratch_operands = 11 : i64, tpu.core_type = #tpu.core_type<sc_vector_subcore>, window_params = [{transform_indices = #map}, {transform_indices = #map1}, {transform_indices = #map1}, {transform_indices = #map}, {transform_indices = #map}, {transform_indices = #map}]} {
    %mul3A = arith.constant 2 : i32
    %mul3A_0 = arith.muli %arg1, %mul3A : i32
    %add3A = arith.addi %mul3A_0, %arg0 : i32
    %mul3A_1 = arith.constant 640 : i32
    %mul3A_2 = arith.muli %arg1, %mul3A_1 : i32
    "tpu.region"() ({
      %run_scoped3A_98 = tpu.sem_alloc : memref<!tpu.dma_semaphore, #tpu.memory_space<semaphore_mem>>
      %dma_start3A_99 = arith.constant 0 : i32
      %dma_start3A_100 = arith.constant 0 : i32
      %dma_start3A_101 = tpu.memref_slice %arg4[%add3A, %dma_start3A_99, %dma_start3A_100] : memref<32x125x80xi32, #tpu.memory_space<hbm>> -> memref<1x125x80xi32, #tpu.memory_space<hbm>>
      %dma_start3A_102 = tpu.memref_squeeze %dma_start3A_101 : memref<1x125x80xi32, #tpu.memory_space<hbm>> -> memref<125x80xi32, #tpu.memory_space<hbm>>
      %dma_start3A_103 = arith.constant 0 : i32
      %dma_start3A_104 = arith.constant 0 : i32
      %dma_start3A_105 = tpu.memref_slice %arg4[%add3A, %dma_start3A_103, %dma_start3A_104] : memref<32x125x80xi32, #tpu.memory_space<hbm>> -> memref<1x125x80xi32, #tpu.memory_space<hbm>>
      %dma_start3A_106 = tpu.memref_squeeze %dma_start3A_105 : memref<1x125x80xi32, #tpu.memory_space<hbm>> -> memref<125x80xi32, #tpu.memory_space<hbm>>
      tpu.enqueue_dma source(%dma_start3A_106 : memref<125x80xi32, #tpu.memory_space<hbm>>) target(%arg10 : memref<125x80xi32, #tpu.memory_space<vmem>>) target_semaphore(%run_scoped3A_98 : memref<!tpu.dma_semaphore, #tpu.memory_space<semaphore_mem>>)
      %dma_wait3A_107 = arith.constant 0 : i32
      %dma_wait3A_108 = arith.constant 0 : i32
      %dma_wait3A_109 = tpu.memref_slice %arg4[%add3A, %dma_wait3A_107, %dma_wait3A_108] : memref<32x125x80xi32, #tpu.memory_space<hbm>> -> memref<1x125x80xi32, #tpu.memory_space<hbm>>
      %dma_wait3A_110 = tpu.memref_squeeze %dma_wait3A_109 : memref<1x125x80xi32, #tpu.memory_space<hbm>> -> memref<125x80xi32, #tpu.memory_space<hbm>>
      %dma_wait3A_111 = arith.constant 0 : i32
      %dma_wait3A_112 = arith.constant 0 : i32
      %dma_wait3A_113 = tpu.memref_slice %arg4[%add3A, %dma_wait3A_111, %dma_wait3A_112] : memref<32x125x80xi32, #tpu.memory_space<hbm>> -> memref<1x125x80xi32, #tpu.memory_space<hbm>>
      %dma_wait3A_114 = tpu.memref_squeeze %dma_wait3A_113 : memref<1x125x80xi32, #tpu.memory_space<hbm>> -> memref<125x80xi32, #tpu.memory_space<hbm>>
      tpu.wait_dma2 semaphore(%run_scoped3A_98 : memref<!tpu.dma_semaphore, #tpu.memory_space<semaphore_mem>>) src(%dma_wait3A_114 : memref<125x80xi32, #tpu.memory_space<hbm>>) dst(%arg10 : memref<125x80xi32, #tpu.memory_space<vmem>>)
      tpu.yield
    }) : () -> ()
    %run_scoped3A = arith.constant 0 : i32
    "tpu.region"() ({
      %run_scoped3A_98 = tpu.sem_alloc : memref<!tpu.dma_semaphore, #tpu.memory_space<semaphore_mem>>
      %dma_start3A_99 = arith.constant 0 : i32
      %dma_start3A_100 = tpu.memref_slice %arg3[%add3A, %run_scoped3A, %dma_start3A_99] : memref<32x125x80xi32, #tpu.memory_space<hbm>> -> memref<1x1x80xi32, #tpu.memory_space<hbm>>
      %dma_start3A_101 = tpu.memref_squeeze %dma_start3A_100 : memref<1x1x80xi32, #tpu.memory_space<hbm>> -> memref<80xi32, #tpu.memory_space<hbm>>
      %dma_start3A_102 = arith.constant 0 : i32
      %dma_start3A_103 = tpu.memref_slice %arg3[%add3A, %run_scoped3A, %dma_start3A_102] : memref<32x125x80xi32, #tpu.memory_space<hbm>> -> memref<1x1x80xi32, #tpu.memory_space<hbm>>
      %dma_start3A_104 = tpu.memref_squeeze %dma_start3A_103 : memref<1x1x80xi32, #tpu.memory_space<hbm>> -> memref<80xi32, #tpu.memory_space<hbm>>
      tpu.enqueue_dma source(%dma_start3A_104 : memref<80xi32, #tpu.memory_space<hbm>>) target(%arg8 : memref<80xi32, #tpu.memory_space<vmem>>) target_semaphore(%run_scoped3A_98 : memref<!tpu.dma_semaphore, #tpu.memory_space<semaphore_mem>>)
      %dma_wait3A_105 = arith.constant 0 : i32
      %dma_wait3A_106 = tpu.memref_slice %arg3[%add3A, %run_scoped3A, %dma_wait3A_105] : memref<32x125x80xi32, #tpu.memory_space<hbm>> -> memref<1x1x80xi32, #tpu.memory_space<hbm>>
      %dma_wait3A_107 = tpu.memref_squeeze %dma_wait3A_106 : memref<1x1x80xi32, #tpu.memory_space<hbm>> -> memref<80xi32, #tpu.memory_space<hbm>>
      %dma_wait3A_108 = arith.constant 0 : i32
      %dma_wait3A_109 = tpu.memref_slice %arg3[%add3A, %run_scoped3A, %dma_wait3A_108] : memref<32x125x80xi32, #tpu.memory_space<hbm>> -> memref<1x1x80xi32, #tpu.memory_space<hbm>>
      %dma_wait3A_110 = tpu.memref_squeeze %dma_wait3A_109 : memref<1x1x80xi32, #tpu.memory_space<hbm>> -> memref<80xi32, #tpu.memory_space<hbm>>
      tpu.wait_dma2 semaphore(%run_scoped3A_98 : memref<!tpu.dma_semaphore, #tpu.memory_space<semaphore_mem>>) src(%dma_wait3A_110 : memref<80xi32, #tpu.memory_space<hbm>>) dst(%arg8 : memref<80xi32, #tpu.memory_space<vmem>>)
      tpu.yield
    }) : () -> ()
    %run_scoped3A_3 = arith.constant 1 : i32
    "tpu.region"() ({
      %run_scoped3A_98 = tpu.sem_alloc : memref<!tpu.dma_semaphore, #tpu.memory_space<semaphore_mem>>
      %dma_start3A_99 = arith.constant 0 : i32
      %dma_start3A_100 = tpu.memref_slice %arg3[%add3A, %run_scoped3A_3, %dma_start3A_99] : memref<32x125x80xi32, #tpu.memory_space<hbm>> -> memref<1x1x80xi32, #tpu.memory_space<hbm>>
      %dma_start3A_101 = tpu.memref_squeeze %dma_start3A_100 : memref<1x1x80xi32, #tpu.memory_space<hbm>> -> memref<80xi32, #tpu.memory_space<hbm>>
      %dma_start3A_102 = arith.constant 0 : i32
      %dma_start3A_103 = tpu.memref_slice %arg3[%add3A, %run_scoped3A_3, %dma_start3A_102] : memref<32x125x80xi32, #tpu.memory_space<hbm>> -> memref<1x1x80xi32, #tpu.memory_space<hbm>>
      %dma_start3A_104 = tpu.memref_squeeze %dma_start3A_103 : memref<1x1x80xi32, #tpu.memory_space<hbm>> -> memref<80xi32, #tpu.memory_space<hbm>>
      tpu.enqueue_dma source(%dma_start3A_104 : memref<80xi32, #tpu.memory_space<hbm>>) target(%arg9 : memref<80xi32, #tpu.memory_space<vmem>>) target_semaphore(%run_scoped3A_98 : memref<!tpu.dma_semaphore, #tpu.memory_space<semaphore_mem>>)
      %dma_wait3A_105 = arith.constant 0 : i32
      %dma_wait3A_106 = tpu.memref_slice %arg3[%add3A, %run_scoped3A_3, %dma_wait3A_105] : memref<32x125x80xi32, #tpu.memory_space<hbm>> -> memref<1x1x80xi32, #tpu.memory_space<hbm>>
      %dma_wait3A_107 = tpu.memref_squeeze %dma_wait3A_106 : memref<1x1x80xi32, #tpu.memory_space<hbm>> -> memref<80xi32, #tpu.memory_space<hbm>>
      %dma_wait3A_108 = arith.constant 0 : i32
      %dma_wait3A_109 = tpu.memref_slice %arg3[%add3A, %run_scoped3A_3, %dma_wait3A_108] : memref<32x125x80xi32, #tpu.memory_space<hbm>> -> memref<1x1x80xi32, #tpu.memory_space<hbm>>
      %dma_wait3A_110 = tpu.memref_squeeze %dma_wait3A_109 : memref<1x1x80xi32, #tpu.memory_space<hbm>> -> memref<80xi32, #tpu.memory_space<hbm>>
      tpu.wait_dma2 semaphore(%run_scoped3A_98 : memref<!tpu.dma_semaphore, #tpu.memory_space<semaphore_mem>>) src(%dma_wait3A_110 : memref<80xi32, #tpu.memory_space<hbm>>) dst(%arg9 : memref<80xi32, #tpu.memory_space<vmem>>)
      tpu.yield
    }) : () -> ()
    "tpu.region"() ({
      %run_scoped3A_98 = tpu.sem_alloc : memref<!tpu.dma_semaphore, #tpu.memory_space<semaphore_mem>>
      %dma_start3A_99 = arith.constant 0 : i32
      %dma_start3A_100 = arith.constant 0 : i32
      %dma_start3A_101 = tpu.memref_slice %arg5[%dma_start3A_99, %dma_start3A_100] : memref<10240x128xf32, #tpu.memory_space<hbm>> -> memref<80x128xf32, #tpu.memory_space<hbm>>
      %dma_start3A_102 = arith.constant 0 : i32
      %dma_start3A_103 = arith.constant 0 : i32
      %dma_start3A_104 = tpu.memref_slice %arg5[%dma_start3A_102, %dma_start3A_103] : memref<10240x128xf32, #tpu.memory_space<hbm>> -> memref<80x128xf32, #tpu.memory_space<hbm>>
      tpu.enqueue_dma source(%dma_start3A_104 : memref<80x128xf32, #tpu.memory_space<hbm>>) target(%arg13 : memref<80x128xf32, #tpu.memory_space<vmem>>) target_semaphore(%run_scoped3A_98 : memref<!tpu.dma_semaphore, #tpu.memory_space<semaphore_mem>>)
      %dma_wait3A_105 = arith.constant 0 : i32
      %dma_wait3A_106 = arith.constant 0 : i32
      %dma_wait3A_107 = tpu.memref_slice %arg5[%dma_wait3A_105, %dma_wait3A_106] : memref<10240x128xf32, #tpu.memory_space<hbm>> -> memref<80x128xf32, #tpu.memory_space<hbm>>
      %dma_wait3A_108 = arith.constant 0 : i32
      %dma_wait3A_109 = arith.constant 0 : i32
      %dma_wait3A_110 = tpu.memref_slice %arg5[%dma_wait3A_108, %dma_wait3A_109] : memref<10240x128xf32, #tpu.memory_space<hbm>> -> memref<80x128xf32, #tpu.memory_space<hbm>>
      tpu.wait_dma2 semaphore(%run_scoped3A_98 : memref<!tpu.dma_semaphore, #tpu.memory_space<semaphore_mem>>) src(%dma_wait3A_110 : memref<80x128xf32, #tpu.memory_space<hbm>>) dst(%arg13 : memref<80x128xf32, #tpu.memory_space<vmem>>)
      tpu.yield
    }) : () -> ()
    "tpu.region"() ({
      %run_scoped3A_98 = tpu.sem_alloc : memref<!tpu.dma_semaphore, #tpu.memory_space<semaphore_mem>>
      %dma_start3A_99 = arith.constant 0 : i32
      %dma_start3A_100 = tpu.memref_slice %arg14[%mul3A_2, %dma_start3A_99] : memref<10240x128xf32, #tpu.memory_space<vmem_shared>> -> memref<640x128xf32, #tpu.memory_space<vmem_shared>>
      %dma_start3A_101 = arith.constant 0 : i32
      %dma_start3A_102 = tpu.memref_slice %arg5[%mul3A_2, %dma_start3A_101] : memref<10240x128xf32, #tpu.memory_space<hbm>> -> memref<640x128xf32, #tpu.memory_space<hbm>>
      tpu.enqueue_dma source(%dma_start3A_102 : memref<640x128xf32, #tpu.memory_space<hbm>>) target(%dma_start3A_100 : memref<640x128xf32, #tpu.memory_space<vmem_shared>>) target_semaphore(%run_scoped3A_98 : memref<!tpu.dma_semaphore, #tpu.memory_space<semaphore_mem>>)
      %dma_wait3A_103 = arith.constant 0 : i32
      %dma_wait3A_104 = tpu.memref_slice %arg14[%mul3A_2, %dma_wait3A_103] : memref<10240x128xf32, #tpu.memory_space<vmem_shared>> -> memref<640x128xf32, #tpu.memory_space<vmem_shared>>
      %dma_wait3A_105 = arith.constant 0 : i32
      %dma_wait3A_106 = tpu.memref_slice %arg5[%mul3A_2, %dma_wait3A_105] : memref<10240x128xf32, #tpu.memory_space<hbm>> -> memref<640x128xf32, #tpu.memory_space<hbm>>
      tpu.wait_dma2 semaphore(%run_scoped3A_98 : memref<!tpu.dma_semaphore, #tpu.memory_space<semaphore_mem>>) src(%dma_wait3A_106 : memref<640x128xf32, #tpu.memory_space<hbm>>) dst(%dma_wait3A_104 : memref<640x128xf32, #tpu.memory_space<vmem_shared>>)
      tpu.yield
    }) : () -> ()
    %barrier3A = arith.constant 0 : index
    tpu.barrier barrier_id(%barrier3A)
    %dma_start3A = arith.constant 0 : i32
    %dma_start3A_4 = arith.constant 0 : i32
    %dma_start3A_5 = tpu.memref_slice %arg2[%dma_start3A, %dma_start3A_4] : memref<10000x128xf32, #tpu.memory_space<hbm>> -> memref<10000x128xf32, #tpu.memory_space<hbm>>
    tpu.enqueue_indirect_dma source(%dma_start3A_5 : memref<10000x128xf32, #tpu.memory_space<hbm>>) target(%arg11 : memref<80x128xf32, #tpu.memory_space<vmem>>) offsets(%arg8 : memref<80xi32, #tpu.memory_space<vmem>>) semaphore(%arg15 : memref<!tpu.dma_semaphore, #tpu.memory_space<semaphore_mem>>)
    %dma_start3A_6 = arith.constant 0 : i32
    %dma_start3A_7 = arith.constant 0 : i32
    %dma_start3A_8 = tpu.memref_slice %arg2[%dma_start3A_6, %dma_start3A_7] : memref<10000x128xf32, #tpu.memory_space<hbm>> -> memref<10000x128xf32, #tpu.memory_space<hbm>>
    tpu.enqueue_indirect_dma source(%dma_start3A_8 : memref<10000x128xf32, #tpu.memory_space<hbm>>) target(%arg12 : memref<80x128xf32, #tpu.memory_space<vmem>>) offsets(%arg9 : memref<80xi32, #tpu.memory_space<vmem>>) semaphore(%arg16 : memref<!tpu.dma_semaphore, #tpu.memory_space<semaphore_mem>>)
    %scan3A = arith.constant 0 : i32
    %scan3A_9 = arith.constant 0 : i32
    %scan3A_10 = arith.constant 62 : i32
    %scan3A_11 = arith.addi %scan3A_9, %scan3A_10 : i32
    %scan3A_12 = arith.constant 1 : i32
    scf.for %scan3A_98 = %scan3A_9 to %scan3A_11 step %scan3A_12  : i32 {
      %mul3A_99 = arith.constant 2 : i32
      %mul3A_100 = arith.muli %scan3A_98, %mul3A_99 : i32
      %dma_wait3A_101 = arith.constant 0 : i32
      %dma_wait3A_102 = arith.constant 0 : i32
      %dma_wait3A_103 = tpu.memref_slice %arg2[%dma_wait3A_101, %dma_wait3A_102] : memref<10000x128xf32, #tpu.memory_space<hbm>> -> memref<10000x128xf32, #tpu.memory_space<hbm>>
      tpu.wait_indirect_dma semaphore(%arg15 : memref<!tpu.dma_semaphore, #tpu.memory_space<semaphore_mem>>) src(%dma_wait3A_103 : memref<10000x128xf32, #tpu.memory_space<hbm>>) dst(%arg11 : memref<80x128xf32, #tpu.memory_space<vmem>>)
      %add3A_104 = arith.constant 2 : i32
      %add3A_105 = arith.addi %mul3A_100, %add3A_104 : i32
      %dma_start3A_106 = arith.constant 0 : i32
      %dma_start3A_107 = tpu.memref_slice %arg3[%add3A, %add3A_105, %dma_start3A_106] : memref<32x125x80xi32, #tpu.memory_space<hbm>> -> memref<1x1x80xi32, #tpu.memory_space<hbm>>
      %dma_start3A_108 = tpu.memref_squeeze %dma_start3A_107 : memref<1x1x80xi32, #tpu.memory_space<hbm>> -> memref<80xi32, #tpu.memory_space<hbm>>
      %dma_start3A_109 = arith.constant 0 : i32
      %dma_start3A_110 = tpu.memref_slice %arg3[%add3A, %add3A_105, %dma_start3A_109] : memref<32x125x80xi32, #tpu.memory_space<hbm>> -> memref<1x1x80xi32, #tpu.memory_space<hbm>>
      %dma_start3A_111 = tpu.memref_squeeze %dma_start3A_110 : memref<1x1x80xi32, #tpu.memory_space<hbm>> -> memref<80xi32, #tpu.memory_space<hbm>>
      tpu.enqueue_dma source(%dma_start3A_111 : memref<80xi32, #tpu.memory_space<hbm>>) target(%arg8 : memref<80xi32, #tpu.memory_space<vmem>>) target_semaphore(%arg17 : memref<!tpu.dma_semaphore, #tpu.memory_space<semaphore_mem>>)
      %get3A_112 = arith.index_cast %mul3A_100 : i32 to index
      %get3A_113 = arith.constant 0 : index
      %get3A_114 = tpu.vector_load %arg10[%get3A_112, %get3A_113] {strides = array<i32>} : memref<125x80xi32, #tpu.memory_space<vmem>>, vector<16xi32>,
      %broadcast_in_dim3A_115 = arith.constant true
      %broadcast_in_dim3A_116 = vector.broadcast %broadcast_in_dim3A_115 : i1 to vector<16xi1>
      %unique3A_117, %unique3A_118 = tpu.scan_count mask(%broadcast_in_dim3A_116 : vector<16xi1>) value(%get3A_114 : vector<16xi32>) : vector<16xi1>, vector<16xi32>
      %shift_right_logical3A_119 = arith.constant 7 : i32
      %shift_right_logical3A_120 = vector.broadcast %shift_right_logical3A_119 : i32 to vector<16xi32>
      %shift_right_logical3A_121 = arith.shrui %get3A_114, %shift_right_logical3A_120 : vector<16xi32>
      %and3A_122 = arith.constant 127 : i32
      %and3A_123 = vector.broadcast %and3A_122 : i32 to vector<16xi32>
      %and3A_124 = arith.andi %get3A_114, %and3A_123 : vector<16xi32>
      %convert_element_type3A_125 = arith.sitofp %unique3A_118 : vector<16xi32> to vector<16xf32>
      tpu.vector_store_idx %arg13[%shift_right_logical3A_121, %and3A_124], %convert_element_type3A_125 masked %unique3A_117 {add = true} : memref<80x128xf32, #tpu.memory_space<vmem>>[vector<16xi32>, vector<16xi32>], vector<16xf32>, vector<16xi1>
      %get3A_126 = arith.index_cast %mul3A_100 : i32 to index
      %get3A_127 = arith.constant 16 : index
      %get3A_128 = tpu.vector_load %arg10[%get3A_126, %get3A_127] {strides = array<i32>} : memref<125x80xi32, #tpu.memory_space<vmem>>, vector<16xi32>,
      %broadcast_in_dim3A_129 = arith.constant true
      %broadcast_in_dim3A_130 = vector.broadcast %broadcast_in_dim3A_129 : i1 to vector<16xi1>
      %unique3A_131, %unique3A_132 = tpu.scan_count mask(%broadcast_in_dim3A_130 : vector<16xi1>) value(%get3A_128 : vector<16xi32>) : vector<16xi1>, vector<16xi32>
      %shift_right_logical3A_133 = arith.constant 7 : i32
      %shift_right_logical3A_134 = vector.broadcast %shift_right_logical3A_133 : i32 to vector<16xi32>
      %shift_right_logical3A_135 = arith.shrui %get3A_128, %shift_right_logical3A_134 : vector<16xi32>
      %and3A_136 = arith.constant 127 : i32
      %and3A_137 = vector.broadcast %and3A_136 : i32 to vector<16xi32>
      %and3A_138 = arith.andi %get3A_128, %and3A_137 : vector<16xi32>
      %convert_element_type3A_139 = arith.sitofp %unique3A_132 : vector<16xi32> to vector<16xf32>
      tpu.vector_store_idx %arg13[%shift_right_logical3A_135, %and3A_138], %convert_element_type3A_139 masked %unique3A_131 {add = true} : memref<80x128xf32, #tpu.memory_space<vmem>>[vector<16xi32>, vector<16xi32>], vector<16xf32>, vector<16xi1>
      %get3A_140 = arith.index_cast %mul3A_100 : i32 to index
      %get3A_141 = arith.constant 32 : index
      %get3A_142 = tpu.vector_load %arg10[%get3A_140, %get3A_141] {strides = array<i32>} : memref<125x80xi32, #tpu.memory_space<vmem>>, vector<16xi32>,
      %broadcast_in_dim3A_143 = arith.constant true
      %broadcast_in_dim3A_144 = vector.broadcast %broadcast_in_dim3A_143 : i1 to vector<16xi1>
      %unique3A_145, %unique3A_146 = tpu.scan_count mask(%broadcast_in_dim3A_144 : vector<16xi1>) value(%get3A_142 : vector<16xi32>) : vector<16xi1>, vector<16xi32>
      %shift_right_logical3A_147 = arith.constant 7 : i32
      %shift_right_logical3A_148 = vector.broadcast %shift_right_logical3A_147 : i32 to vector<16xi32>
      %shift_right_logical3A_149 = arith.shrui %get3A_142, %shift_right_logical3A_148 : vector<16xi32>
      %and3A_150 = arith.constant 127 : i32
      %and3A_151 = vector.broadcast %and3A_150 : i32 to vector<16xi32>
      %and3A_152 = arith.andi %get3A_142, %and3A_151 : vector<16xi32>
      %convert_element_type3A_153 = arith.sitofp %unique3A_146 : vector<16xi32> to vector<16xf32>
      tpu.vector_store_idx %arg13[%shift_right_logical3A_149, %and3A_152], %convert_element_type3A_153 masked %unique3A_145 {add = true} : memref<80x128xf32, #tpu.memory_space<vmem>>[vector<16xi32>, vector<16xi32>], vector<16xf32>, vector<16xi1>
      %get3A_154 = arith.index_cast %mul3A_100 : i32 to index
      %get3A_155 = arith.constant 48 : index
      %get3A_156 = tpu.vector_load %arg10[%get3A_154, %get3A_155] {strides = array<i32>} : memref<125x80xi32, #tpu.memory_space<vmem>>, vector<16xi32>,
      %broadcast_in_dim3A_157 = arith.constant true
      %broadcast_in_dim3A_158 = vector.broadcast %broadcast_in_dim3A_157 : i1 to vector<16xi1>
      %unique3A_159, %unique3A_160 = tpu.scan_count mask(%broadcast_in_dim3A_158 : vector<16xi1>) value(%get3A_156 : vector<16xi32>) : vector<16xi1>, vector<16xi32>
      %shift_right_logical3A_161 = arith.constant 7 : i32
      %shift_right_logical3A_162 = vector.broadcast %shift_right_logical3A_161 : i32 to vector<16xi32>
      %shift_right_logical3A_163 = arith.shrui %get3A_156, %shift_right_logical3A_162 : vector<16xi32>
      %and3A_164 = arith.constant 127 : i32
      %and3A_165 = vector.broadcast %and3A_164 : i32 to vector<16xi32>
      %and3A_166 = arith.andi %get3A_156, %and3A_165 : vector<16xi32>
      %convert_element_type3A_167 = arith.sitofp %unique3A_160 : vector<16xi32> to vector<16xf32>
      tpu.vector_store_idx %arg13[%shift_right_logical3A_163, %and3A_166], %convert_element_type3A_167 masked %unique3A_159 {add = true} : memref<80x128xf32, #tpu.memory_space<vmem>>[vector<16xi32>, vector<16xi32>], vector<16xf32>, vector<16xi1>
      %get3A_168 = arith.index_cast %mul3A_100 : i32 to index
      %get3A_169 = arith.constant 64 : index
      %get3A_170 = tpu.vector_load %arg10[%get3A_168, %get3A_169] {strides = array<i32>} : memref<125x80xi32, #tpu.memory_space<vmem>>, vector<16xi32>,
      %broadcast_in_dim3A_171 = arith.constant true
      %broadcast_in_dim3A_172 = vector.broadcast %broadcast_in_dim3A_171 : i1 to vector<16xi1>
      %unique3A_173, %unique3A_174 = tpu.scan_count mask(%broadcast_in_dim3A_172 : vector<16xi1>) value(%get3A_170 : vector<16xi32>) : vector<16xi1>, vector<16xi32>
      %shift_right_logical3A_175 = arith.constant 7 : i32
      %shift_right_logical3A_176 = vector.broadcast %shift_right_logical3A_175 : i32 to vector<16xi32>
      %shift_right_logical3A_177 = arith.shrui %get3A_170, %shift_right_logical3A_176 : vector<16xi32>
      %and3A_178 = arith.constant 127 : i32
      %and3A_179 = vector.broadcast %and3A_178 : i32 to vector<16xi32>
      %and3A_180 = arith.andi %get3A_170, %and3A_179 : vector<16xi32>
      %convert_element_type3A_181 = arith.sitofp %unique3A_174 : vector<16xi32> to vector<16xf32>
      tpu.vector_store_idx %arg13[%shift_right_logical3A_177, %and3A_180], %convert_element_type3A_181 masked %unique3A_173 {add = true} : memref<80x128xf32, #tpu.memory_space<vmem>>[vector<16xi32>, vector<16xi32>], vector<16xf32>, vector<16xi1>
      "tpu.region"() ({
        %run_scoped3A_288 = tpu.sem_alloc : memref<!tpu.dma_semaphore, #tpu.memory_space<semaphore_mem>>
        %dma_start3A_289 = arith.constant 0 : i32
        %dma_start3A_290 = tpu.memref_slice %arg10[%mul3A_100, %dma_start3A_289] : memref<125x80xi32, #tpu.memory_space<vmem>> -> memref<1x80xi32, #tpu.memory_space<vmem>>
        %dma_start3A_291 = tpu.memref_squeeze %dma_start3A_290 : memref<1x80xi32, #tpu.memory_space<vmem>> -> memref<80xi32, #tpu.memory_space<vmem>>
        %dma_start3A_292 = arith.constant 0 : i32
        %dma_start3A_293 = arith.constant 0 : i32
        %dma_start3A_294 = tpu.memref_slice %arg14[%dma_start3A_292, %dma_start3A_293] : memref<10240x128xf32, #tpu.memory_space<vmem_shared>> -> memref<10240x128xf32, #tpu.memory_space<vmem_shared>>
        tpu.enqueue_indirect_dma source(%arg11 : memref<80x128xf32, #tpu.memory_space<vmem>>) target(%dma_start3A_294 : memref<10240x128xf32, #tpu.memory_space<vmem_shared>>) offsets(%dma_start3A_291 : memref<80xi32, #tpu.memory_space<vmem>>) semaphore(%run_scoped3A_288 : memref<!tpu.dma_semaphore, #tpu.memory_space<semaphore_mem>>) {add = true}
        %dma_wait3A_295 = arith.constant 0 : i32
        %dma_wait3A_296 = tpu.memref_slice %arg10[%mul3A_100, %dma_wait3A_295] : memref<125x80xi32, #tpu.memory_space<vmem>> -> memref<1x80xi32, #tpu.memory_space<vmem>>
        %dma_wait3A_297 = tpu.memref_squeeze %dma_wait3A_296 : memref<1x80xi32, #tpu.memory_space<vmem>> -> memref<80xi32, #tpu.memory_space<vmem>>
        %dma_wait3A_298 = arith.constant 0 : i32
        %dma_wait3A_299 = arith.constant 0 : i32
        %dma_wait3A_300 = tpu.memref_slice %arg14[%dma_wait3A_298, %dma_wait3A_299] : memref<10240x128xf32, #tpu.memory_space<vmem_shared>> -> memref<10240x128xf32, #tpu.memory_space<vmem_shared>>
        tpu.wait_indirect_dma semaphore(%run_scoped3A_288 : memref<!tpu.dma_semaphore, #tpu.memory_space<semaphore_mem>>) src(%arg11 : memref<80x128xf32, #tpu.memory_space<vmem>>) dst(%dma_wait3A_300 : memref<10240x128xf32, #tpu.memory_space<vmem_shared>>)
        tpu.yield
      }) : () -> ()
      %add3A_182 = arith.constant 2 : i32
      %add3A_183 = arith.addi %mul3A_100, %add3A_182 : i32
      %dma_wait3A_184 = arith.constant 0 : i32
      %dma_wait3A_185 = tpu.memref_slice %arg3[%add3A, %add3A_183, %dma_wait3A_184] : memref<32x125x80xi32, #tpu.memory_space<hbm>> -> memref<1x1x80xi32, #tpu.memory_space<hbm>>
      %dma_wait3A_186 = tpu.memref_squeeze %dma_wait3A_185 : memref<1x1x80xi32, #tpu.memory_space<hbm>> -> memref<80xi32, #tpu.memory_space<hbm>>
      %dma_wait3A_187 = arith.constant 0 : i32
      %dma_wait3A_188 = tpu.memref_slice %arg3[%add3A, %add3A_183, %dma_wait3A_187] : memref<32x125x80xi32, #tpu.memory_space<hbm>> -> memref<1x1x80xi32, #tpu.memory_space<hbm>>
      %dma_wait3A_189 = tpu.memref_squeeze %dma_wait3A_188 : memref<1x1x80xi32, #tpu.memory_space<hbm>> -> memref<80xi32, #tpu.memory_space<hbm>>
      tpu.wait_dma2 semaphore(%arg17 : memref<!tpu.dma_semaphore, #tpu.memory_space<semaphore_mem>>) src(%dma_wait3A_189 : memref<80xi32, #tpu.memory_space<hbm>>) dst(%arg8 : memref<80xi32, #tpu.memory_space<vmem>>)
      %dma_start3A_190 = arith.constant 0 : i32
      %dma_start3A_191 = arith.constant 0 : i32
      %dma_start3A_192 = tpu.memref_slice %arg2[%dma_start3A_190, %dma_start3A_191] : memref<10000x128xf32, #tpu.memory_space<hbm>> -> memref<10000x128xf32, #tpu.memory_space<hbm>>
      tpu.enqueue_indirect_dma source(%dma_start3A_192 : memref<10000x128xf32, #tpu.memory_space<hbm>>) target(%arg11 : memref<80x128xf32, #tpu.memory_space<vmem>>) offsets(%arg8 : memref<80xi32, #tpu.memory_space<vmem>>) semaphore(%arg15 : memref<!tpu.dma_semaphore, #tpu.memory_space<semaphore_mem>>)
      %dma_wait3A_193 = arith.constant 0 : i32
      %dma_wait3A_194 = arith.constant 0 : i32
      %dma_wait3A_195 = tpu.memref_slice %arg2[%dma_wait3A_193, %dma_wait3A_194] : memref<10000x128xf32, #tpu.memory_space<hbm>> -> memref<10000x128xf32, #tpu.memory_space<hbm>>
      tpu.wait_indirect_dma semaphore(%arg16 : memref<!tpu.dma_semaphore, #tpu.memory_space<semaphore_mem>>) src(%dma_wait3A_195 : memref<10000x128xf32, #tpu.memory_space<hbm>>) dst(%arg12 : memref<80x128xf32, #tpu.memory_space<vmem>>)
      %add3A_196 = arith.constant 3 : i32
      %add3A_197 = arith.addi %mul3A_100, %add3A_196 : i32
      %min3A = arith.constant 124 : i32
      %min3A_198 = arith.minsi %add3A_197, %min3A : i32
      %dma_start3A_199 = arith.constant 0 : i32
      %dma_start3A_200 = tpu.memref_slice %arg3[%add3A, %min3A_198, %dma_start3A_199] : memref<32x125x80xi32, #tpu.memory_space<hbm>> -> memref<1x1x80xi32, #tpu.memory_space<hbm>>
      %dma_start3A_201 = tpu.memref_squeeze %dma_start3A_200 : memref<1x1x80xi32, #tpu.memory_space<hbm>> -> memref<80xi32, #tpu.memory_space<hbm>>
      %dma_start3A_202 = arith.constant 0 : i32
      %dma_start3A_203 = tpu.memref_slice %arg3[%add3A, %min3A_198, %dma_start3A_202] : memref<32x125x80xi32, #tpu.memory_space<hbm>> -> memref<1x1x80xi32, #tpu.memory_space<hbm>>
      %dma_start3A_204 = tpu.memref_squeeze %dma_start3A_203 : memref<1x1x80xi32, #tpu.memory_space<hbm>> -> memref<80xi32, #tpu.memory_space<hbm>>
      tpu.enqueue_dma source(%dma_start3A_204 : memref<80xi32, #tpu.memory_space<hbm>>) target(%arg9 : memref<80xi32, #tpu.memory_space<vmem>>) target_semaphore(%arg18 : memref<!tpu.dma_semaphore, #tpu.memory_space<semaphore_mem>>)
      %add3A_205 = arith.constant 1 : i32
      %add3A_206 = arith.addi %mul3A_100, %add3A_205 : i32
      %get3A_207 = arith.index_cast %add3A_206 : i32 to index
      %get3A_208 = arith.constant 0 : index
      %get3A_209 = tpu.vector_load %arg10[%get3A_207, %get3A_208] {strides = array<i32>} : memref<125x80xi32, #tpu.memory_space<vmem>>, vector<16xi32>,
      %broadcast_in_dim3A_210 = arith.constant true
      %broadcast_in_dim3A_211 = vector.broadcast %broadcast_in_dim3A_210 : i1 to vector<16xi1>
      %unique3A_212, %unique3A_213 = tpu.scan_count mask(%broadcast_in_dim3A_211 : vector<16xi1>) value(%get3A_209 : vector<16xi32>) : vector<16xi1>, vector<16xi32>
      %shift_right_logical3A_214 = arith.constant 7 : i32
      %shift_right_logical3A_215 = vector.broadcast %shift_right_logical3A_214 : i32 to vector<16xi32>
      %shift_right_logical3A_216 = arith.shrui %get3A_209, %shift_right_logical3A_215 : vector<16xi32>
      %and3A_217 = arith.constant 127 : i32
      %and3A_218 = vector.broadcast %and3A_217 : i32 to vector<16xi32>
      %and3A_219 = arith.andi %get3A_209, %and3A_218 : vector<16xi32>
      %convert_element_type3A_220 = arith.sitofp %unique3A_213 : vector<16xi32> to vector<16xf32>
      tpu.vector_store_idx %arg13[%shift_right_logical3A_216, %and3A_219], %convert_element_type3A_220 masked %unique3A_212 {add = true} : memref<80x128xf32, #tpu.memory_space<vmem>>[vector<16xi32>, vector<16xi32>], vector<16xf32>, vector<16xi1>
      %get3A_221 = arith.index_cast %add3A_206 : i32 to index
      %get3A_222 = arith.constant 16 : index
      %get3A_223 = tpu.vector_load %arg10[%get3A_221, %get3A_222] {strides = array<i32>} : memref<125x80xi32, #tpu.memory_space<vmem>>, vector<16xi32>,
      %broadcast_in_dim3A_224 = arith.constant true
      %broadcast_in_dim3A_225 = vector.broadcast %broadcast_in_dim3A_224 : i1 to vector<16xi1>
      %unique3A_226, %unique3A_227 = tpu.scan_count mask(%broadcast_in_dim3A_225 : vector<16xi1>) value(%get3A_223 : vector<16xi32>) : vector<16xi1>, vector<16xi32>
      %shift_right_logical3A_228 = arith.constant 7 : i32
      %shift_right_logical3A_229 = vector.broadcast %shift_right_logical3A_228 : i32 to vector<16xi32>
      %shift_right_logical3A_230 = arith.shrui %get3A_223, %shift_right_logical3A_229 : vector<16xi32>
      %and3A_231 = arith.constant 127 : i32
      %and3A_232 = vector.broadcast %and3A_231 : i32 to vector<16xi32>
      %and3A_233 = arith.andi %get3A_223, %and3A_232 : vector<16xi32>
      %convert_element_type3A_234 = arith.sitofp %unique3A_227 : vector<16xi32> to vector<16xf32>
      tpu.vector_store_idx %arg13[%shift_right_logical3A_230, %and3A_233], %convert_element_type3A_234 masked %unique3A_226 {add = true} : memref<80x128xf32, #tpu.memory_space<vmem>>[vector<16xi32>, vector<16xi32>], vector<16xf32>, vector<16xi1>
      %get3A_235 = arith.index_cast %add3A_206 : i32 to index
      %get3A_236 = arith.constant 32 : index
      %get3A_237 = tpu.vector_load %arg10[%get3A_235, %get3A_236] {strides = array<i32>} : memref<125x80xi32, #tpu.memory_space<vmem>>, vector<16xi32>,
      %broadcast_in_dim3A_238 = arith.constant true
      %broadcast_in_dim3A_239 = vector.broadcast %broadcast_in_dim3A_238 : i1 to vector<16xi1>
      %unique3A_240, %unique3A_241 = tpu.scan_count mask(%broadcast_in_dim3A_239 : vector<16xi1>) value(%get3A_237 : vector<16xi32>) : vector<16xi1>, vector<16xi32>
      %shift_right_logical3A_242 = arith.constant 7 : i32
      %shift_right_logical3A_243 = vector.broadcast %shift_right_logical3A_242 : i32 to vector<16xi32>
      %shift_right_logical3A_244 = arith.shrui %get3A_237, %shift_right_logical3A_243 : vector<16xi32>
      %and3A_245 = arith.constant 127 : i32
      %and3A_246 = vector.broadcast %and3A_245 : i32 to vector<16xi32>
      %and3A_247 = arith.andi %get3A_237, %and3A_246 : vector<16xi32>
      %convert_element_type3A_248 = arith.sitofp %unique3A_241 : vector<16xi32> to vector<16xf32>
      tpu.vector_store_idx %arg13[%shift_right_logical3A_244, %and3A_247], %convert_element_type3A_248 masked %unique3A_240 {add = true} : memref<80x128xf32, #tpu.memory_space<vmem>>[vector<16xi32>, vector<16xi32>], vector<16xf32>, vector<16xi1>
      %get3A_249 = arith.index_cast %add3A_206 : i32 to index
      %get3A_250 = arith.constant 48 : index
      %get3A_251 = tpu.vector_load %arg10[%get3A_249, %get3A_250] {strides = array<i32>} : memref<125x80xi32, #tpu.memory_space<vmem>>, vector<16xi32>,
      %broadcast_in_dim3A_252 = arith.constant true
      %broadcast_in_dim3A_253 = vector.broadcast %broadcast_in_dim3A_252 : i1 to vector<16xi1>
      %unique3A_254, %unique3A_255 = tpu.scan_count mask(%broadcast_in_dim3A_253 : vector<16xi1>) value(%get3A_251 : vector<16xi32>) : vector<16xi1>, vector<16xi32>
      %shift_right_logical3A_256 = arith.constant 7 : i32
      %shift_right_logical3A_257 = vector.broadcast %shift_right_logical3A_256 : i32 to vector<16xi32>
      %shift_right_logical3A_258 = arith.shrui %get3A_251, %shift_right_logical3A_257 : vector<16xi32>
      %and3A_259 = arith.constant 127 : i32
      %and3A_260 = vector.broadcast %and3A_259 : i32 to vector<16xi32>
      %and3A_261 = arith.andi %get3A_251, %and3A_260 : vector<16xi32>
      %convert_element_type3A_262 = arith.sitofp %unique3A_255 : vector<16xi32> to vector<16xf32>
      tpu.vector_store_idx %arg13[%shift_right_logical3A_258, %and3A_261], %convert_element_type3A_262 masked %unique3A_254 {add = true} : memref<80x128xf32, #tpu.memory_space<vmem>>[vector<16xi32>, vector<16xi32>], vector<16xf32>, vector<16xi1>
      %get3A_263 = arith.index_cast %add3A_206 : i32 to index
      %get3A_264 = arith.constant 64 : index
      %get3A_265 = tpu.vector_load %arg10[%get3A_263, %get3A_264] {strides = array<i32>} : memref<125x80xi32, #tpu.memory_space<vmem>>, vector<16xi32>,
      %broadcast_in_dim3A_266 = arith.constant true
      %broadcast_in_dim3A_267 = vector.broadcast %broadcast_in_dim3A_266 : i1 to vector<16xi1>
      %unique3A_268, %unique3A_269 = tpu.scan_count mask(%broadcast_in_dim3A_267 : vector<16xi1>) value(%get3A_265 : vector<16xi32>) : vector<16xi1>, vector<16xi32>
      %shift_right_logical3A_270 = arith.constant 7 : i32
      %shift_right_logical3A_271 = vector.broadcast %shift_right_logical3A_270 : i32 to vector<16xi32>
      %shift_right_logical3A_272 = arith.shrui %get3A_265, %shift_right_logical3A_271 : vector<16xi32>
      %and3A_273 = arith.constant 127 : i32
      %and3A_274 = vector.broadcast %and3A_273 : i32 to vector<16xi32>
      %and3A_275 = arith.andi %get3A_265, %and3A_274 : vector<16xi32>
      %convert_element_type3A_276 = arith.sitofp %unique3A_269 : vector<16xi32> to vector<16xf32>
      tpu.vector_store_idx %arg13[%shift_right_logical3A_272, %and3A_275], %convert_element_type3A_276 masked %unique3A_268 {add = true} : memref<80x128xf32, #tpu.memory_space<vmem>>[vector<16xi32>, vector<16xi32>], vector<16xf32>, vector<16xi1>
      %add3A_277 = arith.constant 1 : i32
      %add3A_278 = arith.addi %mul3A_100, %add3A_277 : i32
      "tpu.region"() ({
        %run_scoped3A_288 = tpu.sem_alloc : memref<!tpu.dma_semaphore, #tpu.memory_space<semaphore_mem>>
        %dma_start3A_289 = arith.constant 0 : i32
        %dma_start3A_290 = tpu.memref_slice %arg10[%add3A_278, %dma_start3A_289] : memref<125x80xi32, #tpu.memory_space<vmem>> -> memref<1x80xi32, #tpu.memory_space<vmem>>
        %dma_start3A_291 = tpu.memref_squeeze %dma_start3A_290 : memref<1x80xi32, #tpu.memory_space<vmem>> -> memref<80xi32, #tpu.memory_space<vmem>>
        %dma_start3A_292 = arith.constant 0 : i32
        %dma_start3A_293 = arith.constant 0 : i32
        %dma_start3A_294 = tpu.memref_slice %arg14[%dma_start3A_292, %dma_start3A_293] : memref<10240x128xf32, #tpu.memory_space<vmem_shared>> -> memref<10240x128xf32, #tpu.memory_space<vmem_shared>>
        tpu.enqueue_indirect_dma source(%arg12 : memref<80x128xf32, #tpu.memory_space<vmem>>) target(%dma_start3A_294 : memref<10240x128xf32, #tpu.memory_space<vmem_shared>>) offsets(%dma_start3A_291 : memref<80xi32, #tpu.memory_space<vmem>>) semaphore(%run_scoped3A_288 : memref<!tpu.dma_semaphore, #tpu.memory_space<semaphore_mem>>) {add = true}
        %dma_wait3A_295 = arith.constant 0 : i32
        %dma_wait3A_296 = tpu.memref_slice %arg10[%add3A_278, %dma_wait3A_295] : memref<125x80xi32, #tpu.memory_space<vmem>> -> memref<1x80xi32, #tpu.memory_space<vmem>>
        %dma_wait3A_297 = tpu.memref_squeeze %dma_wait3A_296 : memref<1x80xi32, #tpu.memory_space<vmem>> -> memref<80xi32, #tpu.memory_space<vmem>>
        %dma_wait3A_298 = arith.constant 0 : i32
        %dma_wait3A_299 = arith.constant 0 : i32
        %dma_wait3A_300 = tpu.memref_slice %arg14[%dma_wait3A_298, %dma_wait3A_299] : memref<10240x128xf32, #tpu.memory_space<vmem_shared>> -> memref<10240x128xf32, #tpu.memory_space<vmem_shared>>
        tpu.wait_indirect_dma semaphore(%run_scoped3A_288 : memref<!tpu.dma_semaphore, #tpu.memory_space<semaphore_mem>>) src(%arg12 : memref<80x128xf32, #tpu.memory_space<vmem>>) dst(%dma_wait3A_300 : memref<10240x128xf32, #tpu.memory_space<vmem_shared>>)
        tpu.yield
      }) : () -> ()
      %dma_wait3A_279 = arith.constant 0 : i32
      %dma_wait3A_280 = tpu.memref_slice %arg3[%add3A, %min3A_198, %dma_wait3A_279] : memref<32x125x80xi32, #tpu.memory_space<hbm>> -> memref<1x1x80xi32, #tpu.memory_space<hbm>>
      %dma_wait3A_281 = tpu.memref_squeeze %dma_wait3A_280 : memref<1x1x80xi32, #tpu.memory_space<hbm>> -> memref<80xi32, #tpu.memory_space<hbm>>
      %dma_wait3A_282 = arith.constant 0 : i32
      %dma_wait3A_283 = tpu.memref_slice %arg3[%add3A, %min3A_198, %dma_wait3A_282] : memref<32x125x80xi32, #tpu.memory_space<hbm>> -> memref<1x1x80xi32, #tpu.memory_space<hbm>>
      %dma_wait3A_284 = tpu.memref_squeeze %dma_wait3A_283 : memref<1x1x80xi32, #tpu.memory_space<hbm>> -> memref<80xi32, #tpu.memory_space<hbm>>
      tpu.wait_dma2 semaphore(%arg18 : memref<!tpu.dma_semaphore, #tpu.memory_space<semaphore_mem>>) src(%dma_wait3A_284 : memref<80xi32, #tpu.memory_space<hbm>>) dst(%arg9 : memref<80xi32, #tpu.memory_space<vmem>>)
      %dma_start3A_285 = arith.constant 0 : i32
      %dma_start3A_286 = arith.constant 0 : i32
      %dma_start3A_287 = tpu.memref_slice %arg2[%dma_start3A_285, %dma_start3A_286] : memref<10000x128xf32, #tpu.memory_space<hbm>> -> memref<10000x128xf32, #tpu.memory_space<hbm>>
      tpu.enqueue_indirect_dma source(%dma_start3A_287 : memref<10000x128xf32, #tpu.memory_space<hbm>>) target(%arg12 : memref<80x128xf32, #tpu.memory_space<vmem>>) offsets(%arg9 : memref<80xi32, #tpu.memory_space<vmem>>) semaphore(%arg16 : memref<!tpu.dma_semaphore, #tpu.memory_space<semaphore_mem>>)
    }
    %scan3A_13 = arith.constant 62 : i32
    %dma_wait3A = arith.constant 0 : i32
    %dma_wait3A_14 = arith.constant 0 : i32
    %dma_wait3A_15 = tpu.memref_slice %arg2[%dma_wait3A, %dma_wait3A_14] : memref<10000x128xf32, #tpu.memory_space<hbm>> -> memref<10000x128xf32, #tpu.memory_space<hbm>>
    tpu.wait_indirect_dma semaphore(%arg15 : memref<!tpu.dma_semaphore, #tpu.memory_space<semaphore_mem>>) src(%dma_wait3A_15 : memref<10000x128xf32, #tpu.memory_space<hbm>>) dst(%arg11 : memref<80x128xf32, #tpu.memory_space<vmem>>)
    %get3A = arith.constant 124 : i32
    %get3A_16 = arith.index_cast %get3A : i32 to index
    %get3A_17 = arith.constant 0 : index
    %get3A_18 = tpu.vector_load %arg10[%get3A_16, %get3A_17] {strides = array<i32>} : memref<125x80xi32, #tpu.memory_space<vmem>>, vector<16xi32>,
    %broadcast_in_dim3A = arith.constant true
    %broadcast_in_dim3A_19 = vector.broadcast %broadcast_in_dim3A : i1 to vector<16xi1>
    %unique3A, %unique3A_20 = tpu.scan_count mask(%broadcast_in_dim3A_19 : vector<16xi1>) value(%get3A_18 : vector<16xi32>) : vector<16xi1>, vector<16xi32>
    %shift_right_logical3A = arith.constant 7 : i32
    %shift_right_logical3A_21 = vector.broadcast %shift_right_logical3A : i32 to vector<16xi32>
    %shift_right_logical3A_22 = arith.shrui %get3A_18, %shift_right_logical3A_21 : vector<16xi32>
    %and3A = arith.constant 127 : i32
    %and3A_23 = vector.broadcast %and3A : i32 to vector<16xi32>
    %and3A_24 = arith.andi %get3A_18, %and3A_23 : vector<16xi32>
    %convert_element_type3A = arith.sitofp %unique3A_20 : vector<16xi32> to vector<16xf32>
    tpu.vector_store_idx %arg13[%shift_right_logical3A_22, %and3A_24], %convert_element_type3A masked %unique3A {add = true} : memref<80x128xf32, #tpu.memory_space<vmem>>[vector<16xi32>, vector<16xi32>], vector<16xf32>, vector<16xi1>
    %get3A_25 = arith.constant 124 : i32
    %get3A_26 = arith.index_cast %get3A_25 : i32 to index
    %get3A_27 = arith.constant 16 : index
    %get3A_28 = tpu.vector_load %arg10[%get3A_26, %get3A_27] {strides = array<i32>} : memref<125x80xi32, #tpu.memory_space<vmem>>, vector<16xi32>,
    %broadcast_in_dim3A_29 = arith.constant true
    %broadcast_in_dim3A_30 = vector.broadcast %broadcast_in_dim3A_29 : i1 to vector<16xi1>
    %unique3A_31, %unique3A_32 = tpu.scan_count mask(%broadcast_in_dim3A_30 : vector<16xi1>) value(%get3A_28 : vector<16xi32>) : vector<16xi1>, vector<16xi32>
    %shift_right_logical3A_33 = arith.constant 7 : i32
    %shift_right_logical3A_34 = vector.broadcast %shift_right_logical3A_33 : i32 to vector<16xi32>
    %shift_right_logical3A_35 = arith.shrui %get3A_28, %shift_right_logical3A_34 : vector<16xi32>
    %and3A_36 = arith.constant 127 : i32
    %and3A_37 = vector.broadcast %and3A_36 : i32 to vector<16xi32>
    %and3A_38 = arith.andi %get3A_28, %and3A_37 : vector<16xi32>
    %convert_element_type3A_39 = arith.sitofp %unique3A_32 : vector<16xi32> to vector<16xf32>
    tpu.vector_store_idx %arg13[%shift_right_logical3A_35, %and3A_38], %convert_element_type3A_39 masked %unique3A_31 {add = true} : memref<80x128xf32, #tpu.memory_space<vmem>>[vector<16xi32>, vector<16xi32>], vector<16xf32>, vector<16xi1>
    %get3A_40 = arith.constant 124 : i32
    %get3A_41 = arith.index_cast %get3A_40 : i32 to index
    %get3A_42 = arith.constant 32 : index
    %get3A_43 = tpu.vector_load %arg10[%get3A_41, %get3A_42] {strides = array<i32>} : memref<125x80xi32, #tpu.memory_space<vmem>>, vector<16xi32>,
    %broadcast_in_dim3A_44 = arith.constant true
    %broadcast_in_dim3A_45 = vector.broadcast %broadcast_in_dim3A_44 : i1 to vector<16xi1>
    %unique3A_46, %unique3A_47 = tpu.scan_count mask(%broadcast_in_dim3A_45 : vector<16xi1>) value(%get3A_43 : vector<16xi32>) : vector<16xi1>, vector<16xi32>
    %shift_right_logical3A_48 = arith.constant 7 : i32
    %shift_right_logical3A_49 = vector.broadcast %shift_right_logical3A_48 : i32 to vector<16xi32>
    %shift_right_logical3A_50 = arith.shrui %get3A_43, %shift_right_logical3A_49 : vector<16xi32>
    %and3A_51 = arith.constant 127 : i32
    %and3A_52 = vector.broadcast %and3A_51 : i32 to vector<16xi32>
    %and3A_53 = arith.andi %get3A_43, %and3A_52 : vector<16xi32>
    %convert_element_type3A_54 = arith.sitofp %unique3A_47 : vector<16xi32> to vector<16xf32>
    tpu.vector_store_idx %arg13[%shift_right_logical3A_50, %and3A_53], %convert_element_type3A_54 masked %unique3A_46 {add = true} : memref<80x128xf32, #tpu.memory_space<vmem>>[vector<16xi32>, vector<16xi32>], vector<16xf32>, vector<16xi1>
    %get3A_55 = arith.constant 124 : i32
    %get3A_56 = arith.index_cast %get3A_55 : i32 to index
    %get3A_57 = arith.constant 48 : index
    %get3A_58 = tpu.vector_load %arg10[%get3A_56, %get3A_57] {strides = array<i32>} : memref<125x80xi32, #tpu.memory_space<vmem>>, vector<16xi32>,
    %broadcast_in_dim3A_59 = arith.constant true
    %broadcast_in_dim3A_60 = vector.broadcast %broadcast_in_dim3A_59 : i1 to vector<16xi1>
    %unique3A_61, %unique3A_62 = tpu.scan_count mask(%broadcast_in_dim3A_60 : vector<16xi1>) value(%get3A_58 : vector<16xi32>) : vector<16xi1>, vector<16xi32>
    %shift_right_logical3A_63 = arith.constant 7 : i32
    %shift_right_logical3A_64 = vector.broadcast %shift_right_logical3A_63 : i32 to vector<16xi32>
    %shift_right_logical3A_65 = arith.shrui %get3A_58, %shift_right_logical3A_64 : vector<16xi32>
    %and3A_66 = arith.constant 127 : i32
    %and3A_67 = vector.broadcast %and3A_66 : i32 to vector<16xi32>
    %and3A_68 = arith.andi %get3A_58, %and3A_67 : vector<16xi32>
    %convert_element_type3A_69 = arith.sitofp %unique3A_62 : vector<16xi32> to vector<16xf32>
    tpu.vector_store_idx %arg13[%shift_right_logical3A_65, %and3A_68], %convert_element_type3A_69 masked %unique3A_61 {add = true} : memref<80x128xf32, #tpu.memory_space<vmem>>[vector<16xi32>, vector<16xi32>], vector<16xf32>, vector<16xi1>
    %get3A_70 = arith.constant 124 : i32
    %get3A_71 = arith.index_cast %get3A_70 : i32 to index
    %get3A_72 = arith.constant 64 : index
    %get3A_73 = tpu.vector_load %arg10[%get3A_71, %get3A_72] {strides = array<i32>} : memref<125x80xi32, #tpu.memory_space<vmem>>, vector<16xi32>,
    %broadcast_in_dim3A_74 = arith.constant true
    %broadcast_in_dim3A_75 = vector.broadcast %broadcast_in_dim3A_74 : i1 to vector<16xi1>
    %unique3A_76, %unique3A_77 = tpu.scan_count mask(%broadcast_in_dim3A_75 : vector<16xi1>) value(%get3A_73 : vector<16xi32>) : vector<16xi1>, vector<16xi32>
    %shift_right_logical3A_78 = arith.constant 7 : i32
    %shift_right_logical3A_79 = vector.broadcast %shift_right_logical3A_78 : i32 to vector<16xi32>
    %shift_right_logical3A_80 = arith.shrui %get3A_73, %shift_right_logical3A_79 : vector<16xi32>
    %and3A_81 = arith.constant 127 : i32
    %and3A_82 = vector.broadcast %and3A_81 : i32 to vector<16xi32>
    %and3A_83 = arith.andi %get3A_73, %and3A_82 : vector<16xi32>
    %convert_element_type3A_84 = arith.sitofp %unique3A_77 : vector<16xi32> to vector<16xf32>
    tpu.vector_store_idx %arg13[%shift_right_logical3A_80, %and3A_83], %convert_element_type3A_84 masked %unique3A_76 {add = true} : memref<80x128xf32, #tpu.memory_space<vmem>>[vector<16xi32>, vector<16xi32>], vector<16xf32>, vector<16xi1>
    %run_scoped3A_85 = arith.constant 124 : i32
    "tpu.region"() ({
      %run_scoped3A_98 = tpu.sem_alloc : memref<!tpu.dma_semaphore, #tpu.memory_space<semaphore_mem>>
      %dma_start3A_99 = arith.constant 0 : i32
      %dma_start3A_100 = tpu.memref_slice %arg10[%run_scoped3A_85, %dma_start3A_99] : memref<125x80xi32, #tpu.memory_space<vmem>> -> memref<1x80xi32, #tpu.memory_space<vmem>>
      %dma_start3A_101 = tpu.memref_squeeze %dma_start3A_100 : memref<1x80xi32, #tpu.memory_space<vmem>> -> memref<80xi32, #tpu.memory_space<vmem>>
      %dma_start3A_102 = arith.constant 0 : i32
      %dma_start3A_103 = arith.constant 0 : i32
      %dma_start3A_104 = tpu.memref_slice %arg14[%dma_start3A_102, %dma_start3A_103] : memref<10240x128xf32, #tpu.memory_space<vmem_shared>> -> memref<10240x128xf32, #tpu.memory_space<vmem_shared>>
      tpu.enqueue_indirect_dma source(%arg11 : memref<80x128xf32, #tpu.memory_space<vmem>>) target(%dma_start3A_104 : memref<10240x128xf32, #tpu.memory_space<vmem_shared>>) offsets(%dma_start3A_101 : memref<80xi32, #tpu.memory_space<vmem>>) semaphore(%run_scoped3A_98 : memref<!tpu.dma_semaphore, #tpu.memory_space<semaphore_mem>>) {add = true}
      %dma_wait3A_105 = arith.constant 0 : i32
      %dma_wait3A_106 = tpu.memref_slice %arg10[%run_scoped3A_85, %dma_wait3A_105] : memref<125x80xi32, #tpu.memory_space<vmem>> -> memref<1x80xi32, #tpu.memory_space<vmem>>
      %dma_wait3A_107 = tpu.memref_squeeze %dma_wait3A_106 : memref<1x80xi32, #tpu.memory_space<vmem>> -> memref<80xi32, #tpu.memory_space<vmem>>
      %dma_wait3A_108 = arith.constant 0 : i32
      %dma_wait3A_109 = arith.constant 0 : i32
      %dma_wait3A_110 = tpu.memref_slice %arg14[%dma_wait3A_108, %dma_wait3A_109] : memref<10240x128xf32, #tpu.memory_space<vmem_shared>> -> memref<10240x128xf32, #tpu.memory_space<vmem_shared>>
      tpu.wait_indirect_dma semaphore(%run_scoped3A_98 : memref<!tpu.dma_semaphore, #tpu.memory_space<semaphore_mem>>) src(%arg11 : memref<80x128xf32, #tpu.memory_space<vmem>>) dst(%dma_wait3A_110 : memref<10240x128xf32, #tpu.memory_space<vmem_shared>>)
      tpu.yield
    }) : () -> ()
    %dma_wait3A_86 = arith.constant 0 : i32
    %dma_wait3A_87 = arith.constant 0 : i32
    %dma_wait3A_88 = tpu.memref_slice %arg2[%dma_wait3A_86, %dma_wait3A_87] : memref<10000x128xf32, #tpu.memory_space<hbm>> -> memref<10000x128xf32, #tpu.memory_space<hbm>>
    tpu.wait_indirect_dma semaphore(%arg16 : memref<!tpu.dma_semaphore, #tpu.memory_space<semaphore_mem>>) src(%dma_wait3A_88 : memref<10000x128xf32, #tpu.memory_space<hbm>>) dst(%arg12 : memref<80x128xf32, #tpu.memory_space<vmem>>)
    %barrier3A_89 = arith.constant 0 : index
    tpu.barrier barrier_id(%barrier3A_89)
    %mul3A_90 = arith.constant 10240 : i32
    %mul3A_91 = arith.muli %arg0, %mul3A_90 : i32
    %add3A_92 = arith.addi %mul3A_91, %mul3A_2 : i32
    "tpu.region"() ({
      %run_scoped3A_98 = tpu.sem_alloc : memref<!tpu.dma_semaphore, #tpu.memory_space<semaphore_mem>>
      %dma_start3A_99 = arith.constant 0 : i32
      %dma_start3A_100 = tpu.memref_slice %arg6[%add3A_92, %dma_start3A_99] : memref<20480x128xf32, #tpu.memory_space<hbm>> -> memref<640x128xf32, #tpu.memory_space<hbm>>
      %dma_start3A_101 = arith.constant 0 : i32
      %dma_start3A_102 = tpu.memref_slice %arg14[%mul3A_2, %dma_start3A_101] : memref<10240x128xf32, #tpu.memory_space<vmem_shared>> -> memref<640x128xf32, #tpu.memory_space<vmem_shared>>
      tpu.enqueue_dma source(%dma_start3A_102 : memref<640x128xf32, #tpu.memory_space<vmem_shared>>) target(%dma_start3A_100 : memref<640x128xf32, #tpu.memory_space<hbm>>) target_semaphore(%run_scoped3A_98 : memref<!tpu.dma_semaphore, #tpu.memory_space<semaphore_mem>>)
      %dma_wait3A_103 = arith.constant 0 : i32
      %dma_wait3A_104 = tpu.memref_slice %arg6[%add3A_92, %dma_wait3A_103] : memref<20480x128xf32, #tpu.memory_space<hbm>> -> memref<640x128xf32, #tpu.memory_space<hbm>>
      %dma_wait3A_105 = arith.constant 0 : i32
      %dma_wait3A_106 = tpu.memref_slice %arg14[%mul3A_2, %dma_wait3A_105] : memref<10240x128xf32, #tpu.memory_space<vmem_shared>> -> memref<640x128xf32, #tpu.memory_space<vmem_shared>>
      tpu.wait_dma2 semaphore(%run_scoped3A_98 : memref<!tpu.dma_semaphore, #tpu.memory_space<semaphore_mem>>) src(%dma_wait3A_106 : memref<640x128xf32, #tpu.memory_space<vmem_shared>>) dst(%dma_wait3A_104 : memref<640x128xf32, #tpu.memory_space<hbm>>)
      tpu.yield
    }) : () -> ()
    %mul3A_93 = arith.constant 16 : i32
    %mul3A_94 = arith.muli %arg0, %mul3A_93 : i32
    %add3A_95 = arith.addi %mul3A_94, %arg1 : i32
    %mul3A_96 = arith.constant 80 : i32
    %mul3A_97 = arith.muli %add3A_95, %mul3A_96 : i32
    "tpu.region"() ({
      %run_scoped3A_98 = tpu.sem_alloc : memref<!tpu.dma_semaphore, #tpu.memory_space<semaphore_mem>>
      %dma_start3A_99 = arith.constant 0 : i32
      %dma_start3A_100 = tpu.memref_slice %arg7[%mul3A_97, %dma_start3A_99] : memref<2560x128xf32, #tpu.memory_space<hbm>> -> memref<80x128xf32, #tpu.memory_space<hbm>>
      %dma_start3A_101 = arith.constant 0 : i32
      %dma_start3A_102 = tpu.memref_slice %arg7[%mul3A_97, %dma_start3A_101] : memref<2560x128xf32, #tpu.memory_space<hbm>> -> memref<80x128xf32, #tpu.memory_space<hbm>>
      tpu.enqueue_dma source(%arg13 : memref<80x128xf32, #tpu.memory_space<vmem>>) target(%dma_start3A_102 : memref<80x128xf32, #tpu.memory_space<hbm>>) target_semaphore(%run_scoped3A_98 : memref<!tpu.dma_semaphore, #tpu.memory_space<semaphore_mem>>)
      %dma_wait3A_103 = arith.constant 0 : i32
      %dma_wait3A_104 = tpu.memref_slice %arg7[%mul3A_97, %dma_wait3A_103] : memref<2560x128xf32, #tpu.memory_space<hbm>> -> memref<80x128xf32, #tpu.memory_space<hbm>>
      %dma_wait3A_105 = arith.constant 0 : i32
      %dma_wait3A_106 = tpu.memref_slice %arg7[%mul3A_97, %dma_wait3A_105] : memref<2560x128xf32, #tpu.memory_space<hbm>> -> memref<80x128xf32, #tpu.memory_space<hbm>>
      tpu.wait_dma2 semaphore(%run_scoped3A_98 : memref<!tpu.dma_semaphore, #tpu.memory_space<semaphore_mem>>) src(%arg13 : memref<80x128xf32, #tpu.memory_space<vmem>>) dst(%dma_wait3A_106 : memref<80x128xf32, #tpu.memory_space<hbm>>)
      tpu.yield
    }) : () -> ()
    return
  }
}

module attributes {stable_mosaic.version = 14 : i64} {
  func.func @_tc_body(%arg0: memref<10000x128xf32, #tpu.memory_space<vmem>>, %arg1: memref<20480x128xf32, #tpu.memory_space<vmem>>, %arg2: memref<2560x128xf32, #tpu.memory_space<vmem>>, %arg3: memref<128x128xf32, #tpu.memory_space<vmem>>, %arg4: memref<128x128xf32, #tpu.memory_space<vmem>>, %arg5: memref<1x128xf32, #tpu.memory_space<vmem>>, %arg6: memref<1x128xf32, #tpu.memory_space<vmem>>, %arg7: memref<1x128xf32, #tpu.memory_space<vmem>>, %arg8: memref<10000x128xf32, #tpu.memory_space<vmem>>) attributes {dimension_semantics = [], scalar_prefetch = 0 : i64, scratch_operands = 0 : i64, tpu.core_type = #tpu.core_type<tc>} {
    %get3A = arith.constant 0 : index
    %get3A_0 = arith.constant 0 : index
    %get3A_1 = vector.load %arg1[%get3A, %get3A_0] : memref<20480x128xf32, #tpu.memory_space<vmem>>, vector<10000x128xf32>
    %get3A_2 = arith.constant 10240 : index
    %get3A_3 = arith.constant 0 : index
    %get3A_4 = vector.load %arg1[%get3A_2, %get3A_3] : memref<20480x128xf32, #tpu.memory_space<vmem>>, vector<10000x128xf32>
    %add3A = arith.addf %get3A_1, %get3A_4 : vector<10000x128xf32>
    %get3A_5 = arith.constant 0 : index
    %get3A_6 = arith.constant 0 : index
    %get3A_7 = vector.load %arg2[%get3A_5, %get3A_6] : memref<2560x128xf32, #tpu.memory_space<vmem>>, vector<80x128xf32>
    %get3A_8 = arith.constant 80 : index
    %get3A_9 = arith.constant 0 : index
    %get3A_10 = vector.load %arg2[%get3A_8, %get3A_9] : memref<2560x128xf32, #tpu.memory_space<vmem>>, vector<80x128xf32>
    %add3A_11 = arith.addf %get3A_7, %get3A_10 : vector<80x128xf32>
    %get3A_12 = arith.constant 160 : index
    %get3A_13 = arith.constant 0 : index
    %get3A_14 = vector.load %arg2[%get3A_12, %get3A_13] : memref<2560x128xf32, #tpu.memory_space<vmem>>, vector<80x128xf32>
    %add3A_15 = arith.addf %add3A_11, %get3A_14 : vector<80x128xf32>
    %get3A_16 = arith.constant 240 : index
    %get3A_17 = arith.constant 0 : index
    %get3A_18 = vector.load %arg2[%get3A_16, %get3A_17] : memref<2560x128xf32, #tpu.memory_space<vmem>>, vector<80x128xf32>
    %add3A_19 = arith.addf %add3A_15, %get3A_18 : vector<80x128xf32>
    %get3A_20 = arith.constant 320 : index
    %get3A_21 = arith.constant 0 : index
    %get3A_22 = vector.load %arg2[%get3A_20, %get3A_21] : memref<2560x128xf32, #tpu.memory_space<vmem>>, vector<80x128xf32>
    %add3A_23 = arith.addf %add3A_19, %get3A_22 : vector<80x128xf32>
    %get3A_24 = arith.constant 400 : index
    %get3A_25 = arith.constant 0 : index
    %get3A_26 = vector.load %arg2[%get3A_24, %get3A_25] : memref<2560x128xf32, #tpu.memory_space<vmem>>, vector<80x128xf32>
    %add3A_27 = arith.addf %add3A_23, %get3A_26 : vector<80x128xf32>
    %get3A_28 = arith.constant 480 : index
    %get3A_29 = arith.constant 0 : index
    %get3A_30 = vector.load %arg2[%get3A_28, %get3A_29] : memref<2560x128xf32, #tpu.memory_space<vmem>>, vector<80x128xf32>
    %add3A_31 = arith.addf %add3A_27, %get3A_30 : vector<80x128xf32>
    %get3A_32 = arith.constant 560 : index
    %get3A_33 = arith.constant 0 : index
    %get3A_34 = vector.load %arg2[%get3A_32, %get3A_33] : memref<2560x128xf32, #tpu.memory_space<vmem>>, vector<80x128xf32>
    %add3A_35 = arith.addf %add3A_31, %get3A_34 : vector<80x128xf32>
    %get3A_36 = arith.constant 640 : index
    %get3A_37 = arith.constant 0 : index
    %get3A_38 = vector.load %arg2[%get3A_36, %get3A_37] : memref<2560x128xf32, #tpu.memory_space<vmem>>, vector<80x128xf32>
    %add3A_39 = arith.addf %add3A_35, %get3A_38 : vector<80x128xf32>
    %get3A_40 = arith.constant 720 : index
    %get3A_41 = arith.constant 0 : index
    %get3A_42 = vector.load %arg2[%get3A_40, %get3A_41] : memref<2560x128xf32, #tpu.memory_space<vmem>>, vector<80x128xf32>
    %add3A_43 = arith.addf %add3A_39, %get3A_42 : vector<80x128xf32>
    %get3A_44 = arith.constant 800 : index
    %get3A_45 = arith.constant 0 : index
    %get3A_46 = vector.load %arg2[%get3A_44, %get3A_45] : memref<2560x128xf32, #tpu.memory_space<vmem>>, vector<80x128xf32>
    %add3A_47 = arith.addf %add3A_43, %get3A_46 : vector<80x128xf32>
    %get3A_48 = arith.constant 880 : index
    %get3A_49 = arith.constant 0 : index
    %get3A_50 = vector.load %arg2[%get3A_48, %get3A_49] : memref<2560x128xf32, #tpu.memory_space<vmem>>, vector<80x128xf32>
    %add3A_51 = arith.addf %add3A_47, %get3A_50 : vector<80x128xf32>
    %get3A_52 = arith.constant 960 : index
    %get3A_53 = arith.constant 0 : index
    %get3A_54 = vector.load %arg2[%get3A_52, %get3A_53] : memref<2560x128xf32, #tpu.memory_space<vmem>>, vector<80x128xf32>
    %add3A_55 = arith.addf %add3A_51, %get3A_54 : vector<80x128xf32>
    %get3A_56 = arith.constant 1040 : index
    %get3A_57 = arith.constant 0 : index
    %get3A_58 = vector.load %arg2[%get3A_56, %get3A_57] : memref<2560x128xf32, #tpu.memory_space<vmem>>, vector<80x128xf32>
    %add3A_59 = arith.addf %add3A_55, %get3A_58 : vector<80x128xf32>
    %get3A_60 = arith.constant 1120 : index
    %get3A_61 = arith.constant 0 : index
    %get3A_62 = vector.load %arg2[%get3A_60, %get3A_61] : memref<2560x128xf32, #tpu.memory_space<vmem>>, vector<80x128xf32>
    %add3A_63 = arith.addf %add3A_59, %get3A_62 : vector<80x128xf32>
    %get3A_64 = arith.constant 1200 : index
    %get3A_65 = arith.constant 0 : index
    %get3A_66 = vector.load %arg2[%get3A_64, %get3A_65] : memref<2560x128xf32, #tpu.memory_space<vmem>>, vector<80x128xf32>
    %add3A_67 = arith.addf %add3A_63, %get3A_66 : vector<80x128xf32>
    %get3A_68 = arith.constant 1280 : index
    %get3A_69 = arith.constant 0 : index
    %get3A_70 = vector.load %arg2[%get3A_68, %get3A_69] : memref<2560x128xf32, #tpu.memory_space<vmem>>, vector<80x128xf32>
    %add3A_71 = arith.addf %add3A_67, %get3A_70 : vector<80x128xf32>
    %get3A_72 = arith.constant 1360 : index
    %get3A_73 = arith.constant 0 : index
    %get3A_74 = vector.load %arg2[%get3A_72, %get3A_73] : memref<2560x128xf32, #tpu.memory_space<vmem>>, vector<80x128xf32>
    %add3A_75 = arith.addf %add3A_71, %get3A_74 : vector<80x128xf32>
    %get3A_76 = arith.constant 1440 : index
    %get3A_77 = arith.constant 0 : index
    %get3A_78 = vector.load %arg2[%get3A_76, %get3A_77] : memref<2560x128xf32, #tpu.memory_space<vmem>>, vector<80x128xf32>
    %add3A_79 = arith.addf %add3A_75, %get3A_78 : vector<80x128xf32>
    %get3A_80 = arith.constant 1520 : index
    %get3A_81 = arith.constant 0 : index
    %get3A_82 = vector.load %arg2[%get3A_80, %get3A_81] : memref<2560x128xf32, #tpu.memory_space<vmem>>, vector<80x128xf32>
    %add3A_83 = arith.addf %add3A_79, %get3A_82 : vector<80x128xf32>
    %get3A_84 = arith.constant 1600 : index
    %get3A_85 = arith.constant 0 : index
    %get3A_86 = vector.load %arg2[%get3A_84, %get3A_85] : memref<2560x128xf32, #tpu.memory_space<vmem>>, vector<80x128xf32>
    %add3A_87 = arith.addf %add3A_83, %get3A_86 : vector<80x128xf32>
    %get3A_88 = arith.constant 1680 : index
    %get3A_89 = arith.constant 0 : index
    %get3A_90 = vector.load %arg2[%get3A_88, %get3A_89] : memref<2560x128xf32, #tpu.memory_space<vmem>>, vector<80x128xf32>
    %add3A_91 = arith.addf %add3A_87, %get3A_90 : vector<80x128xf32>
    %get3A_92 = arith.constant 1760 : index
    %get3A_93 = arith.constant 0 : index
    %get3A_94 = vector.load %arg2[%get3A_92, %get3A_93] : memref<2560x128xf32, #tpu.memory_space<vmem>>, vector<80x128xf32>
    %add3A_95 = arith.addf %add3A_91, %get3A_94 : vector<80x128xf32>
    %get3A_96 = arith.constant 1840 : index
    %get3A_97 = arith.constant 0 : index
    %get3A_98 = vector.load %arg2[%get3A_96, %get3A_97] : memref<2560x128xf32, #tpu.memory_space<vmem>>, vector<80x128xf32>
    %add3A_99 = arith.addf %add3A_95, %get3A_98 : vector<80x128xf32>
    %get3A_100 = arith.constant 1920 : index
    %get3A_101 = arith.constant 0 : index
    %get3A_102 = vector.load %arg2[%get3A_100, %get3A_101] : memref<2560x128xf32, #tpu.memory_space<vmem>>, vector<80x128xf32>
    %add3A_103 = arith.addf %add3A_99, %get3A_102 : vector<80x128xf32>
    %get3A_104 = arith.constant 2000 : index
    %get3A_105 = arith.constant 0 : index
    %get3A_106 = vector.load %arg2[%get3A_104, %get3A_105] : memref<2560x128xf32, #tpu.memory_space<vmem>>, vector<80x128xf32>
    %add3A_107 = arith.addf %add3A_103, %get3A_106 : vector<80x128xf32>
    %get3A_108 = arith.constant 2080 : index
    %get3A_109 = arith.constant 0 : index
    %get3A_110 = vector.load %arg2[%get3A_108, %get3A_109] : memref<2560x128xf32, #tpu.memory_space<vmem>>, vector<80x128xf32>
    %add3A_111 = arith.addf %add3A_107, %get3A_110 : vector<80x128xf32>
    %get3A_112 = arith.constant 2160 : index
    %get3A_113 = arith.constant 0 : index
    %get3A_114 = vector.load %arg2[%get3A_112, %get3A_113] : memref<2560x128xf32, #tpu.memory_space<vmem>>, vector<80x128xf32>
    %add3A_115 = arith.addf %add3A_111, %get3A_114 : vector<80x128xf32>
    %get3A_116 = arith.constant 2240 : index
    %get3A_117 = arith.constant 0 : index
    %get3A_118 = vector.load %arg2[%get3A_116, %get3A_117] : memref<2560x128xf32, #tpu.memory_space<vmem>>, vector<80x128xf32>
    %add3A_119 = arith.addf %add3A_115, %get3A_118 : vector<80x128xf32>
    %get3A_120 = arith.constant 2320 : index
    %get3A_121 = arith.constant 0 : index
    %get3A_122 = vector.load %arg2[%get3A_120, %get3A_121] : memref<2560x128xf32, #tpu.memory_space<vmem>>, vector<80x128xf32>
    %add3A_123 = arith.addf %add3A_119, %get3A_122 : vector<80x128xf32>
    %get3A_124 = arith.constant 2400 : index
    %get3A_125 = arith.constant 0 : index
    %get3A_126 = vector.load %arg2[%get3A_124, %get3A_125] : memref<2560x128xf32, #tpu.memory_space<vmem>>, vector<80x128xf32>
    %add3A_127 = arith.addf %add3A_123, %get3A_126 : vector<80x128xf32>
    %get3A_128 = arith.constant 2480 : index
    %get3A_129 = arith.constant 0 : index
    %get3A_130 = vector.load %arg2[%get3A_128, %get3A_129] : memref<2560x128xf32, #tpu.memory_space<vmem>>, vector<80x128xf32>
    %add3A_131 = arith.addf %add3A_127, %get3A_130 : vector<80x128xf32>
    %iota3A = tpu.iota {dimensions = array<i32: 0>} : vector<10000x80xi32>
    %jit3A = arith.constant 128 : i32
    %div3A = vector.broadcast %jit3A : i32 to vector<10000x80xi32>
    %div3A_132 = arith.divsi %iota3A, %div3A : vector<10000x80xi32>
    %sign3A = arith.constant 0 : i32
    %sign3A_133 = vector.broadcast %sign3A : i32 to vector<10000x80xi32>
    %sign3A_134 = arith.cmpi sgt, %iota3A, %sign3A_133 : vector<10000x80xi32>
    %sign3A_135 = arith.extui %sign3A_134 : vector<10000x80xi1> to vector<10000x80xi32>
    %sign3A_136 = arith.constant 0 : i32
    %sign3A_137 = vector.broadcast %sign3A_136 : i32 to vector<10000x80xi32>
    %sign3A_138 = arith.cmpi slt, %iota3A, %sign3A_137 : vector<10000x80xi32>
    %sign3A_139 = arith.extui %sign3A_138 : vector<10000x80xi1> to vector<10000x80xi32>
    %sign3A_140 = arith.subi %sign3A_135, %sign3A_139 : vector<10000x80xi32>
    %sign3A_141 = arith.constant 0 : i32
    %sign3A_142 = arith.cmpi sgt, %jit3A, %sign3A_141 : i32
    %sign3A_143 = arith.extui %sign3A_142 : i1 to i32
    %sign3A_144 = arith.constant 0 : i32
    %sign3A_145 = arith.cmpi slt, %jit3A, %sign3A_144 : i32
    %sign3A_146 = arith.extui %sign3A_145 : i1 to i32
    %sign3A_147 = arith.subi %sign3A_143, %sign3A_146 : i32
    %ne3A = vector.broadcast %sign3A_147 : i32 to vector<10000x80xi32>
    %ne3A_148 = arith.cmpi ne, %sign3A_140, %ne3A : vector<10000x80xi32>
    %rem3A = vector.broadcast %jit3A : i32 to vector<10000x80xi32>
    %rem3A_149 = arith.remsi %iota3A, %rem3A : vector<10000x80xi32>
    %ne3A_150 = arith.constant 0 : i32
    %ne3A_151 = vector.broadcast %ne3A_150 : i32 to vector<10000x80xi32>
    %ne3A_152 = arith.cmpi ne, %rem3A_149, %ne3A_151 : vector<10000x80xi32>
    %and3A = arith.andi %ne3A_148, %ne3A_152 : vector<10000x80xi1>
    %sub3A = arith.constant 1 : i32
    %sub3A_153 = vector.broadcast %sub3A : i32 to vector<10000x80xi32>
    %sub3A_154 = arith.subi %div3A_132, %sub3A_153 : vector<10000x80xi32>
    %select_n3A = arith.select %and3A, %sub3A_154, %div3A_132 : vector<10000x80xi1>, vector<10000x80xi32>
    %iota3A_155 = tpu.iota {dimensions = array<i32: 1>} : vector<10000x80xi32>
    %eq3A = arith.cmpi eq, %select_n3A, %iota3A_155 : vector<10000x80xi32>
    %convert_element_type3A = arith.extui %eq3A : vector<10000x80xi1> to vector<10000x80xi32>
    %convert_element_type3A_156 = arith.sitofp %convert_element_type3A : vector<10000x80xi32> to vector<10000x80xf32>
    %iota3A_157 = tpu.iota {dimensions = array<i32: 0>} : vector<10000x128xi32>
    %jit3A_158 = arith.constant 128 : i32
    %eq3A_159 = arith.constant 0 : i32
    %eq3A_160 = arith.cmpi eq, %jit3A_158, %eq3A_159 : i32
    %jit3A_161 = arith.constant 1 : i32
    %select_n3A_162 = arith.select %eq3A_160, %jit3A_161, %jit3A_158 : i32
    %rem3A_163 = vector.broadcast %select_n3A_162 : i32 to vector<10000x128xi32>
    %rem3A_164 = arith.remsi %iota3A_157, %rem3A_163 : vector<10000x128xi32>
    %ne3A_165 = arith.constant 0 : i32
    %ne3A_166 = vector.broadcast %ne3A_165 : i32 to vector<10000x128xi32>
    %ne3A_167 = arith.cmpi ne, %rem3A_164, %ne3A_166 : vector<10000x128xi32>
    %lt3A = arith.constant 0 : i32
    %lt3A_168 = vector.broadcast %lt3A : i32 to vector<10000x128xi32>
    %lt3A_169 = arith.cmpi slt, %rem3A_164, %lt3A_168 : vector<10000x128xi32>
    %lt3A_170 = arith.constant 0 : i32
    %lt3A_171 = arith.cmpi slt, %select_n3A_162, %lt3A_170 : i32
    %ne3A_172 = vector.broadcast %lt3A_171 : i1 to vector<10000x128xi1>
    %ne3A_173 = vector.broadcast %ne3A_172 : vector<10000x128xi1> to vector<10000x128xi1>
    %ne3A_174 = arith.xori %lt3A_169, %ne3A_173 : vector<10000x128xi1>
    %and3A_175 = arith.andi %ne3A_174, %ne3A_167 : vector<10000x128xi1>
    %add3A_176 = vector.broadcast %select_n3A_162 : i32 to vector<10000x128xi32>
    %add3A_177 = arith.addi %rem3A_164, %add3A_176 : vector<10000x128xi32>
    %select_n3A_178 = arith.select %and3A_175, %add3A_177, %rem3A_164 : vector<10000x128xi1>, vector<10000x128xi32>
    %iota3A_179 = tpu.iota {dimensions = array<i32: 1>} : vector<10000x128xi32>
    %eq3A_180 = arith.cmpi eq, %select_n3A_178, %iota3A_179 : vector<10000x128xi32>
    %convert_element_type3A_181 = arith.extui %eq3A_180 : vector<10000x128xi1> to vector<10000x128xi32>
    %convert_element_type3A_182 = arith.sitofp %convert_element_type3A_181 : vector<10000x128xi32> to vector<10000x128xf32>
    %dot_general3A = arith.constant dense<0.000000e+00> : vector<10000x128xf32>
    %dot_general3A_183 = tpu.matmul %convert_element_type3A_156, %add3A_131, %dot_general3A {dimension_numbers = #tpu.dot_dimension_numbers<[1], [0], [0], [1], [0, 0, 1, 1], [], []>, precision = #tpu.contract_precision<fp32>, transpose_lhs_hint = false} : vector<10000x80xf32>, vector<80x128xf32>, vector<10000x128xf32> -> vector<10000x128xf32>
    %mul3A = arith.mulf %dot_general3A_183, %convert_element_type3A_182 : vector<10000x128xf32>
    %reduce_sum3A = arith.constant dense<0.000000e+00> : vector<10000xf32>
    %reduce_sum3A_184 = vector.multi_reduction <add>, %mul3A, %reduce_sum3A [1] : vector<10000x128xf32> to vector<10000xf32>
    %broadcast_in_dim3A = vector.shape_cast %reduce_sum3A_184 : vector<10000xf32> to vector<10000x1xf32>
    %max3A = arith.constant 1.000000e+00 : f32
    %max3A_185 = vector.broadcast %max3A : f32 to vector<10000x1xf32>
    %max3A_186 = arith.maximumf %broadcast_in_dim3A, %max3A_185 : vector<10000x1xf32>
    %div3A_187 = vector.broadcast %max3A_186 : vector<10000x1xf32> to vector<10000x128xf32>
    %div3A_188 = arith.divf %add3A, %div3A_187 : vector<10000x128xf32>
    %get3A_189 = arith.constant 0 : index
    %get3A_190 = arith.constant 0 : index
    %get3A_191 = vector.load %arg0[%get3A_189, %get3A_190] : memref<10000x128xf32, #tpu.memory_space<vmem>>, vector<10000x128xf32>
    %get3A_192 = arith.constant 0 : index
    %get3A_193 = arith.constant 0 : index
    %get3A_194 = vector.load %arg3[%get3A_192, %get3A_193] : memref<128x128xf32, #tpu.memory_space<vmem>>, vector<128x128xf32>
    %dot_general3A_195 = arith.constant dense<0.000000e+00> : vector<10000x128xf32>
    %dot_general3A_196 = tpu.matmul %get3A_191, %get3A_194, %dot_general3A_195 {dimension_numbers = #tpu.dot_dimension_numbers<[1], [1], [0], [0], [0, 0, 1, 0], [], []>, transpose_lhs_hint = false} : vector<10000x128xf32>, vector<128x128xf32>, vector<10000x128xf32> -> vector<10000x128xf32>
    %get3A_197 = arith.constant 0 : index
    %get3A_198 = arith.constant 0 : index
    %get3A_199 = vector.load %arg4[%get3A_197, %get3A_198] : memref<128x128xf32, #tpu.memory_space<vmem>>, vector<128x128xf32>
    %dot_general3A_200 = arith.constant dense<0.000000e+00> : vector<10000x128xf32>
    %dot_general3A_201 = tpu.matmul %div3A_188, %get3A_199, %dot_general3A_200 {dimension_numbers = #tpu.dot_dimension_numbers<[1], [1], [0], [0], [0, 0, 1, 0], [], []>, transpose_lhs_hint = false} : vector<10000x128xf32>, vector<128x128xf32>, vector<10000x128xf32> -> vector<10000x128xf32>
    %add3A_202 = arith.addf %dot_general3A_196, %dot_general3A_201 : vector<10000x128xf32>
    %get3A_203 = arith.constant 0 : index
    %get3A_204 = arith.constant 0 : index
    %get3A_205 = vector.load %arg5[%get3A_203, %get3A_204] : memref<1x128xf32, #tpu.memory_space<vmem>>, vector<1x128xf32>
    %add3A_206 = vector.broadcast %get3A_205 : vector<1x128xf32> to vector<10000x128xf32>
    %add3A_207 = arith.addf %add3A_202, %add3A_206 : vector<10000x128xf32>
    %reduce_sum3A_208 = arith.constant dense<0.000000e+00> : vector<128xf32>
    %reduce_sum3A_209 = vector.multi_reduction <add>, %add3A_207, %reduce_sum3A_208 [0] : vector<10000x128xf32> to vector<128xf32>
    %broadcast_in_dim3A_210 = vector.shape_cast %reduce_sum3A_209 : vector<128xf32> to vector<1x128xf32>
    %div3A_211 = arith.constant 1.000000e+04 : f32
    %div3A_212 = vector.broadcast %div3A_211 : f32 to vector<1x128xf32>
    %div3A_213 = arith.divf %broadcast_in_dim3A_210, %div3A_212 : vector<1x128xf32>
    %sub3A_214 = vector.broadcast %div3A_213 : vector<1x128xf32> to vector<10000x128xf32>
    %sub3A_215 = arith.subf %add3A_207, %sub3A_214 : vector<10000x128xf32>
    %square3A = arith.mulf %sub3A_215, %sub3A_215 : vector<10000x128xf32>
    %reduce_sum3A_216 = arith.constant dense<0.000000e+00> : vector<128xf32>
    %reduce_sum3A_217 = vector.multi_reduction <add>, %square3A, %reduce_sum3A_216 [0] : vector<10000x128xf32> to vector<128xf32>
    %broadcast_in_dim3A_218 = vector.shape_cast %reduce_sum3A_217 : vector<128xf32> to vector<1x128xf32>
    %div3A_219 = arith.constant 1.000000e+04 : f32
    %div3A_220 = vector.broadcast %div3A_219 : f32 to vector<1x128xf32>
    %div3A_221 = arith.divf %broadcast_in_dim3A_218, %div3A_220 : vector<1x128xf32>
    %get3A_222 = arith.constant 0 : index
    %get3A_223 = arith.constant 0 : index
    %get3A_224 = vector.load %arg6[%get3A_222, %get3A_223] : memref<1x128xf32, #tpu.memory_space<vmem>>, vector<1x128xf32>
    %sub3A_225 = vector.broadcast %div3A_213 : vector<1x128xf32> to vector<10000x128xf32>
    %sub3A_226 = arith.subf %add3A_207, %sub3A_225 : vector<10000x128xf32>
    %mul3A_227 = vector.broadcast %get3A_224 : vector<1x128xf32> to vector<10000x128xf32>
    %mul3A_228 = arith.mulf %mul3A_227, %sub3A_226 : vector<10000x128xf32>
    %add3A_229 = arith.constant 9.99999974E-6 : f32
    %add3A_230 = vector.broadcast %add3A_229 : f32 to vector<1x128xf32>
    %add3A_231 = arith.addf %div3A_221, %add3A_230 : vector<1x128xf32>
    %rsqrt3A = math.rsqrt %add3A_231 : vector<1x128xf32>
    %mul3A_232 = vector.broadcast %rsqrt3A : vector<1x128xf32> to vector<10000x128xf32>
    %mul3A_233 = arith.mulf %mul3A_228, %mul3A_232 : vector<10000x128xf32>
    %get3A_234 = arith.constant 0 : index
    %get3A_235 = arith.constant 0 : index
    %get3A_236 = vector.load %arg7[%get3A_234, %get3A_235] : memref<1x128xf32, #tpu.memory_space<vmem>>, vector<1x128xf32>
    %add3A_237 = vector.broadcast %get3A_236 : vector<1x128xf32> to vector<10000x128xf32>
    %add3A_238 = arith.addf %mul3A_233, %add3A_237 : vector<10000x128xf32>
    %max3A_239 = arith.constant 0.000000e+00 : f32
    %max3A_240 = vector.broadcast %max3A_239 : f32 to vector<10000x128xf32>
    %max3A_241 = arith.maximumf %add3A_238, %max3A_240 : vector<10000x128xf32>
    %swap3A = arith.constant 0 : index
    %swap3A_242 = arith.constant 0 : index
    %swap3A_243 = vector.load %arg8[%swap3A, %swap3A_242] : memref<10000x128xf32, #tpu.memory_space<vmem>>, vector<10000x128xf32>
    tpu.vector_store %arg8[%swap3A, %swap3A_242], %max3A_241 {strides = array<i32>} : memref<10000x128xf32, #tpu.memory_space<vmem>>, vector<10000x128xf32>,
    return
  }
}

</mosaic_0001>

<sc_bundles>
// kernel: kernel.4.cloned.1.call-start
scs
__scs_entry_jumppad:
0x0: {  	(pc) =	sbr.rel $0x88, $3  }
0x1: {  	(tag) =	ssettag $0x0;
	lr =	simm.s32 $0x1  }
0x2: {  	[smem:$0x3F9A] =	sst lr;
	_ =	strace $0xD0000000  }
0x3: {  	_ = 	snop  }
0x4: {  	_ = 	snop  }
0x5: {  	_ = 	snop  }
0x6: {  	_ = 	snop  }
0x7: {  	_ = 	snop  }
__scs_overlays_trampoline_lowered:
0x8: {  	[smem:$0x3FA9] =	sst s0  }
0x9: {  	[smem:$0x3FAA] =	sst s1  }
0xa: {  	[smem:$0x3FAB] =	sst s2  }
0xb: {  	[smem:$0x3FAC] =	sst s3  }
0xc: {  	[smem:$0x3FAD] =	sst s4  }
0xd: {  	[smem:$0x3FAE] =	sst s5  }
0xe: {  	[smem:$0x3FAF] =	sst s6  }
0xf: {  	[smem:$0x3FB0] =	sst s7  }
0x10: {  	[smem:$0x3FB1] =	sst s8  }
0x11: {  	[smem:$0x3FB2] =	sst s9;
	s0 =	simm.s32 @!p0 $0x0  }
0x12: {  	s1 =	sld [smem:$0x3F98];
	s0 =	simm.s32 @p0 $0x1  }
0x13: {  	[smem:$0x3FB3] =	sst s0;
	s0 =	simm.s32 @!p1 $0x0  }
0x14: {  	s2 =	sld [smem:$0x3F97];
	s0 =	simm.s32 @p1 $0x1  }
0x15: {  	[smem:$0x3FB4] =	sst s0;
	s0 =	simm.s32 @!p2 $0x0  }
0x16: {  	s3 =	sld [smem:$0x3FDB];
	s0 =	simm.s32 @p2 $0x1  }
0x17: {  	s4 =	simm.s32 $0x1BF5;
	[smem:$0x3FB6] =	sst s0  }
0x18: {  	s0 =	sld [smem:$0x3F99];
	_ =	swait.ge [sflag:s4], $0x0  }
0x19: {  	s7 =	sld [smem:$0x3F9A]  }
0x1a: {  	s8 =	sadd.s32 $0xFFFFE003, lr  }
0x1b: {  	s9 =	sadd.s32 $0xFFFFFEF7, lr;
	s5 =	simm.s32 $0xFFFFFFFF;
	p2 =	slt.u32 s8, $0xFFFFF086  }
0x1c: {  	p1 =	slt.u32 s9, $0xF7A;
	s5 =	simm.s32 @!p2 $0x0  }
0x1d: {  	s5 =	simm.s32 @p1 $0x1;
	p0 =	seq.s32 s7, s2  }
0x1e: {  	s7 =	smul.u32 @!p0 $0xF7A, s2;
	p2 =	seq.s32 @!p0 s5, $0x0  }
0x1f: {  	s9 =	smul.u32 $0xF7A, s1;
	s8 =	simm.s32 @!p0 $0x1BF5;
	p2 =	por !p2, p0  }
0x20: {  	[sflag:s8] =	ssyncset.s32 @!p0 $0xFFFFF086;
	s6 =	sadd.s32 @!p0 s3, s7;
	s7 =	simm.s32 @!p0 $0x108  }
0x21: {  	s3 =	sadd.s32 s3, s9;
	s6 =	sadd.s32 @!p0 $0x88, s6;
	s7 =	simm.s32 @p2 $0x1082  }
0x22: {  	[simem:s7], [sflag:s8] =	dma.local @!p0 [hbm:s6], $0xF7A  }
0x23: {  	s9 =	sor.u32 $0xD0000000, s2;
	s6 =	simm.s32 $0x108;
	_ =	swait.ge @!p0 [sflag:s8], $0x0  }
0x24: {  	s3 =	sadd.s32 $0x88, s3;
	s6 =	simm.s32 @!p1 $0x1082;
	[sflag:s4] =	ssyncset.s32 $0xFFFFF086  }
0x25: {  	[simem:s6], [sflag:s4] =	dma.local [hbm:s3], $0xF7A  }
0x26: {  	[smem:$0x3F9A] =	sst s1;
	(tag) =	ssettag s2;
	_ =	strace s9  }
0x27: {  	s1 =	sld [smem:$0x3FAA]  }
0x28: {  	s2 =	sld [smem:$0x3FAB]  }
0x29: {  	s4 =	sld [smem:$0x3FAD]  }
0x2a: {  	p0 =	seq.s32 s5, $0x0;
	s5 =	sld [smem:$0x3FAE]  }
0x2b: {  	s6 =	sld [smem:$0x3FAF]  }
0x2c: {  	s7 =	sld [smem:$0x3FB0]  }
0x2d: {  	s3 =	simm.s32 $0x108;
	s8 =	sld [smem:$0x3FB1]  }
0x2e: {  	s3 =	simm.s32 @!p0 $0x1082;
	s9 =	sld [smem:$0x3FB2]  }
0x2f: {  	lr =	sadd.s32 s0, s3;
	s0 =	sld [smem:$0x3FA9]  }
0x30: {  	s3 =	sld [smem:$0x3FAC]  }
0x31: {  	[smem:$0x3FB5] =	sst s10  }
0x32: {  	s10 =	sld [smem:$0x3FB3];
	_ =	sdelay $0x3  }
0x33: {  	p0 =	seq.s32 s10, $0x1;
	s10 =	sld [smem:$0x3FB5];
	_ =	sdelay $0x3  }
0x34: {  	[smem:$0x3FB5] =	sst s10  }
0x35: {  	s10 =	sld [smem:$0x3FB4];
	_ =	sdelay $0x3  }
0x36: {  	p1 =	seq.s32 s10, $0x1;
	s10 =	sld [smem:$0x3FB5];
	_ =	sdelay $0x3  }
0x37: {  	[smem:$0x3FB5] =	sst s10  }
0x38: {  	s10 =	sld [smem:$0x3FB6]  }
0x39: {  	_ = 	snop;
	(pc) =	sbr.ind lr, $3  }
0x3a: {  	_ = 	snop  }
0x3b: {  	_ = 	snop  }
0x3c: {  	p2 =	seq.s32 s10, $0x1;
	s10 =	sld [smem:$0x3FB5]  }
0x3d: {  	_ =	shalt  }
0x3e: {  	_ =	shalt  }
0x3f: {  	_ =	shalt  }
0x40: {  	_ =	shalt  }
0x41: {  	_ =	shalt  }
0x42: {  	_ =	shalt  }
0x43: {  	_ =	shalt  }
0x44: {  	_ =	shalt  }
0x45: {  	_ =	shalt  }
0x46: {  	_ =	shalt  }
0x47: {  	_ =	shalt  }
0x48: {  	_ =	shalt  }
0x49: {  	_ =	shalt  }
0x4a: {  	_ =	shalt  }
0x4b: {  	_ =	shalt  }
0x4c: {  	_ =	shalt  }
0x4d: {  	_ =	shalt  }
0x4e: {  	_ =	shalt  }
0x4f: {  	_ =	shalt  }
0x50: {  	_ =	shalt  }
0x51: {  	_ =	shalt  }
0x52: {  	_ =	shalt  }
0x53: {  	_ =	shalt  }
0x54: {  	_ =	shalt  }
0x55: {  	_ =	shalt  }
0x56: {  	_ =	shalt  }
0x57: {  	_ =	shalt  }
0x58: {  	_ =	shalt  }
0x59: {  	_ =	shalt  }
0x5a: {  	_ =	shalt  }
0x5b: {  	_ =	shalt  }
0x5c: {  	_ =	shalt  }
0x5d: {  	_ =	shalt  }
0x5e: {  	_ =	shalt  }
0x5f: {  	_ =	shalt  }
0x60: {  	_ =	shalt  }
0x61: {  	_ =	shalt  }
0x62: {  	_ =	shalt  }
0x63: {  	_ =	shalt  }
0x64: {  	_ =	shalt  }
0x65: {  	_ =	shalt  }
0x66: {  	_ =	shalt  }
0x67: {  	_ =	shalt  }
0x68: {  	_ =	shalt  }
0x69: {  	_ =	shalt  }
0x6a: {  	_ =	shalt  }
0x6b: {  	_ =	shalt  }
0x6c: {  	_ =	shalt  }
0x6d: {  	_ =	shalt  }
0x6e: {  	_ =	shalt  }
0x6f: {  	_ =	shalt  }
0x70: {  	_ =	shalt  }
0x71: {  	_ =	shalt  }
0x72: {  	_ =	shalt  }
0x73: {  	_ =	shalt  }
0x74: {  	_ =	shalt  }
0x75: {  	_ =	shalt  }
0x76: {  	_ =	shalt  }
0x77: {  	_ =	shalt  }
0x78: {  	_ =	shalt  }
0x79: {  	_ =	shalt  }
0x7a: {  	_ =	shalt  }
0x7b: {  	_ =	shalt  }
0x7c: {  	_ =	shalt  }
0x7d: {  	_ =	shalt  }
0x7e: {  	_ =	shalt  }
0x7f: {  	_ =	shalt  }
0x80: {  	_ =	shalt  }
0x81: {  	_ =	shalt  }
0x82: {  	_ =	shalt  }
0x83: {  	_ =	shalt  }
0x84: {  	_ =	shalt  }
0x85: {  	_ =	shalt  }
0x86: {  	_ =	shalt  }
0x87: {  	_ =	shalt  }
.Lfunc_end0:
.L_simem_size_0:
called_computation_lowered:
.L_overlay_start_0:
0x88: {  	s2 =	sld [smem:$0x3FD9]  }
0x89: {  	s3 =	sld [smem:$0x3FFE];
	_ =	sdelay $0x1  }
0x8a: {  	s1 =	srdreg.scid  }
0x8b: {  	s0 =	sand.u32 $0x1, s1  }
0x8c: {  	s17 =	sshll.u32 s0, $0xA;
	s2 =	sadd.s32 s3, s2  }
0x8d: {  	s2 =	sadd.s32 s2, s17  }
0x8e: {  	[smem:$0x3FC1] =	sst s2  }
0x8f: {  	_ = 	snop  }
0x90: {  	s2 =	sld [smem:$0x3FC9]  }
0x91: {  	s18 =	sld [smem:$0x3FD0];
	(tm) =	ssettm $0x1  }
0x92: {  	s4 =	sld [smem:$0x3FFB];
	_ =	sdelay $0x3  }
0x93: {  	_ =	strace s4  }
0x94: {  	s4 =	sld [smem:$0x3FFC];
	_ =	sdelay $0x3  }
0x95: {  	_ =	strace s4  }
0x96: {  	s4 =	sld [smem:$0x3FFD];
	_ =	sdelay $0x3  }
0x97: {  	_ =	strace s4  }
0x98: {  	_ =	strace $0x8FFFFFFF  }
0x99: {  	s19 =	sld [smem:$0x3FDB];
	_ =	sdelay $0x1  }
0x9a: {  	s5 =	simm.s32 $_scs_section_size  }
0x9b: {  	s6 =	simm.s32 $_size__tile_overlayer_lowered;
	s7 =	simm.s32 $_tile_overlayer_lowered  }
0x9c: {  	s22 =	simm.s32 $0x1BFF;
	s21 =	sshll.u32 s7, $0x1;
	s4 =	sadd.s32 s5, s19  }
0x9d: {  	s8 =	simm.s32 $0x0;
	s20 =	sshll.u32 s6, $0x1;
	s6 =	sadd.s32 s21, s4  }
0x9e: {  	[timem:s8], [sflag:s22] =	dma.local [hbm:s6], s20  }
0x9f: {  	_ =	swait.ge [sflag:s22], s20  }
0xa0: {  	s5 =	ssub.s32 $0x0, s20;
	[sflag:s22] =	ssyncset.done $0x0  }
0xa1: {  	[sflag:s22] =	ssyncadd.s32 s5;
	_ =	sdelay $0x1  }
0xa2: {  	s23 =	simm.s32 $0x1B8B  }
0xa3: {  	_ =	swait.ge [sflag:s23], $0x1  }
0xa4: {  	[sflag:s23] =	ssyncset.done $0x0  }
0xa5: {  	s25 =	simm.s32 $0x1B8E;
	s24 =	sld [smem:$0x3FFE];
	[sflag:s23] =	ssyncadd.s32 $0xFFFFFFFF  }
0xa6: {  	s26 =	simm.s32 $execute0_lowered;
	[smem:$0x3FD2] =	sst s25  }
0xa7: {  	s6 =	sshll.u32 s26, $0x1;
	_ =	strace $0x80000046;
	[dreg:$0x1] =	wrdreg $0xFFFFFFFF  }
0xa8: {  	s28 =	simm.s32 $_size_execute0_lowered;
	s4 =	sadd.s32 s4, s6;
	[dreg:$0x0] =	wrdreg $0x0  }
0xa9: {  	s6 =	sshll.u32 s28, $0x1;
	[dreg:$0x2] =	wrdreg s4  }
0xaa: {  	[dreg:$0x3] =	wrdreg s6  }
0xab: {  	[dreg:$0x4] =	wrdreg $0xC0  }
0xac: {  	_ =	task [dreg:s8], $0x5FFFF  }
0xad: {  	[dreg:$0x1] =	wrdreg $0xFFFFFFFF  }
0xae: {  	[dreg:$0x0] =	wrdreg $0x60  }
0xaf: {  	[dreg:$0x2] =	wrdreg s2  }
0xb0: {  	[dreg:$0x3] =	wrdreg s18  }
0xb1: {  	[dreg:$0x4] =	wrdreg s24  }
0xb2: {  	[dreg:$0x5] =	wrdreg $0xB9000  }
0xb3: {  	[dreg:$0x6] =	wrdreg $0x9  }
0xb4: {  	_ =	task.clear_ibuf [dreg:s8], $0x7FFFF;
	_ =	strace $0x90000046  }
0xb5: {  	s29 =	simm.s32 $0x9;
	_ =	strace $0x80000048  }
0xb6: {  	_ =	swait.ge [sflag:s29], $0x1  }
0xb7: {  	[sflag:s29] =	ssyncadd.s32 $0xFFFFFFFF  }
0xb8: {  	_ =	strace $0x90000048  }
0xb9: {  	_ =	sfence  }
0xba: {  	s30 =	sld [smem:$0x0];
	_ =	sdelay $0x2  }
0xbb: {  	s31 =	sshll.u32 s1, $0xD;
	s1 =	sshrl.u32 s1, $0x2  }
0xbc: {  	s3 =	sand.u32 $0x4000, s31;
	s1 =	sadd.s32 s1, s30  }
0xbd: {  	s0 =	sor.u32 s3, s0;
	s1 =	sshll.u32 s1, $0x11  }
0xbe: {  	s0 =	sor.u32 s1, s0  }
0xbf: {  	s0 =	sadd.s32 $0x8F2B, s0  }
0xc0: {  	[sflag:s0] =	ssyncadd.remote.s32 $0x1  }
0xc1: {  	_ =	sfence.sel $0xFFFF  }
0xc2: {  	[dreg:$0x0] =	wrdreg $0xFFFFFFFF;
	(pc) =	sbr.abs _section_cstart, $3  }
0xc3: {  	[dreg:$0x1] =	wrdreg $0xFFFFFFFF  }
0xc4: {  	_ =	task.clear_ibuf [dreg:s8], $0x2FFFF;
	_ =	strace $0x9FFFFFFF  }
0xc5: {  	(tm) =	ssettm $0x7FFFFFFF  }
tec
execute0_lowered:
.L_overlay_start_1:
0x0: {  	(tag) =	ssettag $0x1  }
0x1: {  	s1 =	rddreg [dreg:$0x0]  }
0x2: {  	s2 =	rddreg [dreg:$0x1]  }
0x3: {  	s0 =	rddreg [dreg:$0x2]  }
0x4: {  	s4 =	rddreg [dreg:$0x3];
	s6 =	srdreg.scid;
	s5 =	simm.s32 $0x0  }
0x5: {  	s3 =	stileid.u32;
	s16 =	simm.s32 $0x80;
	s17 =	simm.s32 $0x9100  }
0x6: {  	s20 =	simm.s32 $0x50;
	s21 =	simm.s32 $0x4100;
	s22 =	simm.s32 $0x6900  }
0x7: {  	s23 =	simm.s32 $0x1;
	s24 =	simm.s32 $0x3;
	s25 =	simm.s32 $0x2  }
0x8: {  	s29 =	simm.s32 $0x0;
	s8 =	sand.u32 $0x1, s6;
	s11 =	smul.u32 $0x2800, s3  }
0x9: {  	[smem:$0x7FF] =	sst s5;
	s26 =	sshll.u32 s3, $0xF;
	s15 =	smul.u32 $0x50000, s3  }
0xa: {  	s31 =	sshll.u32 s3, $0x6;
	s7 =	sshll.u32 s8, $0xE;
	_ =	strace $0x80000047  }
0xb: {  	s28 =	sshll.u32 s8, $0x4;
	s12 =	smul.u32 $0x28000, s8;
	s8 =	ssub.s32 $0x2, s8  }
0xc: {  	s18 =	sor.u32 $0x1C05, s31;
	s6 =	sor.u32 s7, s26;
	s13 =	sor.u32 s3, s28  }
0xd: {  	s7 =	sadd.s32 $0x11600, s0;
	s14 =	sshrl.u32 s8, $0x1;
	s30 =	sshrl.u32 s15, $0x2  }
0xe: {  	s15 =	simm.s32 $0x5;
	s26 =	simm.s32 $0x4;
	s9 =	sshrl.u32 s6, $0x3  }
0xf: {  	s13 =	smul.u32 $0x500, s13;
	s12 =	sadd.s32 s11, s12;
	s14 =	ssub.s32 s8, s14  }
0x10: {  	s19 =	sadd.s32 s30, s4;
	s11 =	sadd.s32 s7, s11;
	s10 =	sadd.s32 s9, s0  }
0x11: {  	s12 =	sadd.s32 s12, s0;
	s9 =	sadd.s32 s2, s9;
	s14 =	smax.u32 s14, $0x1  }
0x12: {  	s19 =	sshrl.u32 s19, $0x3;
	s0 =	sadd.s32 s13, s0;
	s8 =	sadd.s32 $0x1600, s10  }
0x13: {  	s10 =	sadd.s32 $0x10, s9;
	s12 =	sadd.s32 $0x39600, s12;
	s13 =	sadd.s32 $0x89600, s0  }
.LBB2_1:
0x14: {  	s30 =	simm.s32 $0x100  }
0x15: {  	[tilespmem:s30], [sflag:$0x5] =	stream.linear.gather [hbm4b:s8+s5], $0x3E80, $0x38;
	[tilespmem:$0x1F900] =	vst v63  }
0x16: {  	_ =	swait.ge [sflag:s15], $0x3E80  }
0x17: {  	[sflag:s15] =	ssyncset.done $0x0  }
0x18: {  	[sflag:s15] =	ssyncadd.s32 $0xFFFFC180  }
0x19: {  	[tilespmem:s5], [sflag:$0x5] =	stream.linear.gather [hbm4b:s9+s5], $0x80, $0x38;
	[tilespmem:$0x1F900] =	vst v63  }
0x1a: {  	_ =	swait.ge [sflag:s15], $0x80  }
0x1b: {  	[sflag:s15] =	ssyncset.done $0x0  }
0x1c: {  	[sflag:s15] =	ssyncadd.s32 $0xFFFFFF80  }
0x1d: {  	[tilespmem:s16], [sflag:$0x5] =	stream.linear.gather [hbm4b:s10+s5], $0x80, $0x38;
	[tilespmem:$0x1F900] =	vst v63  }
0x1e: {  	_ =	swait.ge [sflag:s15], $0x80  }
0x1f: {  	[sflag:s15] =	ssyncset.done $0x0  }
0x20: {  	[sflag:s15] =	ssyncadd.s32 $0xFFFFFF80  }
0x21: {  	[tilespmem:s17], [sflag:$0x5] =	stream.linear.gather [hbm4b:s7+s5], $0x2800, $0x38;
	[tilespmem:$0x1F900] =	vst v63  }
0x22: {  	_ =	swait.ge [sflag:s15], $0x2800  }
0x23: {  	[sflag:s15] =	ssyncset.done $0x0  }
0x24: {  	[sflag:s15] =	ssyncadd.s32 $0xFFFFD800  }
0x25: {  	[spmem:s19], [sflag:s18] =	dma.local [hbm:s11], $0x2800  }
0x26: {  	_ =	swait.ge [sflag:s15], $0x2800  }
0x27: {  	[sflag:s15] =	ssyncset.done $0x0  }
0x28: {  	[sflag:s15] =	ssyncadd.s32 $0xFFFFD800  }
0x29: {  	[bflag:$0x0] =	sbarrier.arrive $0xFFFF  }
0x2a: {  	[tilespmem:s21], [sflag:$0x1] =	stream.indirect.gather [hbm4b:s1+s20], $0x80, s5, s20, $0xb8;
	[tilespmem:$0x1F900] =	vst v63  }
0x2b: {  	s31 =	simm.s32 $0x180;
	s0 =	simm.s32 $0x0  }
0x2c: {  	[tilespmem:s22], [sflag:$0x2] =	stream.indirect.gather [hbm4b:s1+s20], $0x80, s16, s20, $0xb8;
	[tilespmem:$0x1F900] =	vst v63  }
.LBB2_2:
0x2d: {  	s3 =	sand.u32 $0x7C00, s30  }
0x2e: {  	s28 =	sand.u32 $0x300, s30;
	s3 =	sadd.s32 s6, s3  }
0x2f: {  	_ =	swait.ge [sflag:s23], $0x2800;
	s3 =	sor.u32 s28, s3  }
0x30: {  	[sflag:s23] =	ssyncset.done $0x0;
	s3 =	sshrl.u32 s3, $0x3  }
0x31: {  	[sflag:s23] =	ssyncadd.s32 $0xFFFFD800;
	s3 =	sadd.s32 s2, s3  }
0x32: {  	[tilespmem:s5], [sflag:$0x3] =	stream.linear.gather [hbm4b:s3+s5], $0x80, $0x38;
	[tilespmem:$0x1F900] =	vst v63  }
0x33: {  	v0 =	vld [tilespmem:s31+$0xFFFFFF80];
	_ =	sdelay $0x4  }
0x34: {  	(xrf1) =	vunique.msk.u32 $0xffff, v0;
	_ =	sdelay $0xd  }
0x35: {  	_, v1, vm0 =	vpop (xrf1);
	_ =	sdelay $0x3  }
0x36: {  	v1 =	vcvt.s32.f32 v1;
	_ =	sdelay $0x1  }
0x37: {  	[tilespmem:v0+s17+$0x0] =	vst.idx.add.f32.msk vm0, v1  }
0x38: {  	v0 =	vld [tilespmem:s31+$0xFFFFFF90];
	_ =	sdelay $0x4  }
0x39: {  	(xrf1) =	vunique.msk.u32 $0xffff, v0;
	_ =	sdelay $0xd  }
0x3a: {  	_, v1, vm0 =	vpop (xrf1);
	_ =	sdelay $0x3  }
0x3b: {  	v1 =	vcvt.s32.f32 v1;
	_ =	sdelay $0x1  }
0x3c: {  	[tilespmem:v0+s17+$0x0] =	vst.idx.add.f32.msk vm0, v1  }
0x3d: {  	v0 =	vld [tilespmem:s31+$0xFFFFFFA0];
	_ =	sdelay $0x4  }
0x3e: {  	(xrf1) =	vunique.msk.u32 $0xffff, v0;
	_ =	sdelay $0xd  }
0x3f: {  	_, v1, vm0 =	vpop (xrf1);
	_ =	sdelay $0x3  }
0x40: {  	v1 =	vcvt.s32.f32 v1;
	_ =	sdelay $0x1  }
0x41: {  	[tilespmem:v0+s17+$0x0] =	vst.idx.add.f32.msk vm0, v1  }
0x42: {  	v0 =	vld [tilespmem:s31+$0xFFFFFFB0];
	_ =	sdelay $0x4  }
0x43: {  	(xrf1) =	vunique.msk.u32 $0xffff, v0;
	_ =	sdelay $0xd  }
0x44: {  	_, v1, vm0 =	vpop (xrf1);
	_ =	sdelay $0x3  }
0x45: {  	v1 =	vcvt.s32.f32 v1;
	_ =	sdelay $0x1  }
0x46: {  	[tilespmem:v0+s17+$0x0] =	vst.idx.add.f32.msk vm0, v1  }
0x47: {  	v0 =	vld [tilespmem:s31+$0xFFFFFFC0];
	_ =	sdelay $0x4  }
0x48: {  	(xrf1) =	vunique.msk.u32 $0xffff, v0;
	_ =	sdelay $0xd  }
0x49: {  	_, v1, vm0 =	vpop (xrf1);
	_ =	sdelay $0x3  }
0x4a: {  	v1 =	vcvt.s32.f32 v1;
	_ =	sdelay $0x1  }
0x4b: {  	s28 =	sadd.s32 $0xFFFFFF80, s31;
	[tilespmem:v0+s17+$0x0] =	vst.idx.add.f32.msk vm0, v1  }
0x4c: {  	[spmem:s4] =	stream.indirect.scatter.add.f32 [tilespmem:s21], [sflag:$0x5], $0x80, s28, s20, $0xb8;
	[tilespmem:$0x1F900] =	vst v63  }
0x4d: {  	_ =	swait.ge [sflag:s15], $0x2800  }
0x4e: {  	s28 =	smin.u32 s0, $0x79;
	[sflag:s15] =	ssyncset.done $0x0  }
0x4f: {  	s3 =	sshll.u32 s28, $0x7;
	[sflag:s15] =	ssyncadd.s32 $0xFFFFD800  }
0x50: {  	s3 =	sadd.s32 $0x180, s3;
	_ =	swait.ge [sflag:s24], $0x80  }
0x51: {  	s28 =	sand.u32 $0x7C00, s3;
	[sflag:s24] =	ssyncset.done $0x0  }
0x52: {  	s3 =	sand.u32 $0x380, s3;
	s28 =	sadd.s32 s6, s28;
	[sflag:s24] =	ssyncadd.s32 $0xFFFFFF80  }
0x53: {  	[tilespmem:s21], [sflag:$0x1] =	stream.indirect.gather [hbm4b:s1+s20], $0x80, s5, s20, $0xb8;
	[tilespmem:$0x1F900] =	vst v63  }
0x54: {  	s3 =	sor.u32 s3, s28;
	_ =	swait.ge [sflag:s25], $0x2800  }
0x55: {  	s3 =	sshrl.u32 s3, $0x3;
	[sflag:s25] =	ssyncset.done $0x0  }
0x56: {  	s3 =	sadd.s32 s2, s3;
	[sflag:s25] =	ssyncadd.s32 $0xFFFFD800  }
0x57: {  	[tilespmem:s16], [sflag:$0x4] =	stream.linear.gather [hbm4b:s3+s5], $0x80, $0x38;
	[tilespmem:$0x1F900] =	vst v63  }
0x58: {  	v63 =	vld [tilespmem:s31+$0x0];
	_ =	sdelay $0x4  }
0x59: {  	(xrf1) =	vunique.msk.u32 $0xffff, v63;
	_ =	sdelay $0xd  }
0x5a: {  	_, v1, vm0 =	vpop (xrf1);
	_ =	sdelay $0x3  }
0x5b: {  	v1 =	vcvt.s32.f32 v1;
	_ =	sdelay $0x1  }
0x5c: {  	[tilespmem:v63+s17+$0x0] =	vst.idx.add.f32.msk vm0, v1  }
0x5d: {  	v0 =	vld [tilespmem:s31+$0x10];
	_ =	sdelay $0x4  }
0x5e: {  	(xrf1) =	vunique.msk.u32 $0xffff, v0;
	_ =	sdelay $0xd  }
0x5f: {  	_, v1, vm0 =	vpop (xrf1);
	_ =	sdelay $0x3  }
0x60: {  	v1 =	vcvt.s32.f32 v1;
	_ =	sdelay $0x1  }
0x61: {  	[tilespmem:v0+s17+$0x0] =	vst.idx.add.f32.msk vm0, v1  }
0x62: {  	v0 =	vld [tilespmem:s31+$0x20];
	_ =	sdelay $0x4  }
0x63: {  	(xrf1) =	vunique.msk.u32 $0xffff, v0;
	_ =	sdelay $0xd  }
0x64: {  	_, v1, vm0 =	vpop (xrf1);
	_ =	sdelay $0x3  }
0x65: {  	v1 =	vcvt.s32.f32 v1;
	_ =	sdelay $0x1  }
0x66: {  	[tilespmem:v0+s17+$0x0] =	vst.idx.add.f32.msk vm0, v1  }
0x67: {  	v0 =	vld [tilespmem:s31+$0x30];
	_ =	sdelay $0x4  }
0x68: {  	(xrf1) =	vunique.msk.u32 $0xffff, v0;
	_ =	sdelay $0xd  }
0x69: {  	_, v1, vm0 =	vpop (xrf1);
	_ =	sdelay $0x3  }
0x6a: {  	v1 =	vcvt.s32.f32 v1;
	_ =	sdelay $0x1  }
0x6b: {  	[tilespmem:v0+s17+$0x0] =	vst.idx.add.f32.msk vm0, v1  }
0x6c: {  	v0 =	vld [tilespmem:s31+$0x40];
	_ =	sdelay $0x4  }
0x6d: {  	(xrf1) =	vunique.msk.u32 $0xffff, v0;
	_ =	sdelay $0xd  }
0x6e: {  	_, v1, vm0 =	vpop (xrf1);
	_ =	sdelay $0x3  }
0x6f: {  	v1 =	vcvt.s32.f32 v1;
	_ =	sdelay $0x1  }
0x70: {  	[tilespmem:v0+s17+$0x0] =	vst.idx.add.f32.msk vm0, v1  }
0x71: {  	[spmem:s4] =	stream.indirect.scatter.add.f32 [tilespmem:s22], [sflag:$0x5], $0x80, s31, s20, $0xb8;
	[tilespmem:$0x1F900] =	vst v63  }
0x72: {  	_ =	swait.ge [sflag:s15], $0x2800  }
0x73: {  	p0 =	sne.s32 s30, $0x3E00;
	[sflag:s15] =	ssyncset.done $0x0  }
.Ltmp0:
0x74: {  	[sflag:s15] =	ssyncadd.s32 $0xFFFFD800;
	(pc) =	sbr.rel @p0 .LBB2_2-.Ltmp0, $4  }
0x75: {  	_ =	swait.ge [sflag:s26], $0x80  }
0x76: {  	s30 =	sadd.s32 $0x100, s30;
	[sflag:s26] =	ssyncset.done $0x0  }
0x77: {  	s0 =	sadd.s32 $0x2, s0;
	s31 =	sadd.s32 $0x100, s31;
	[sflag:s26] =	ssyncadd.s32 $0xFFFFFF80  }
0x78: {  	[tilespmem:s22], [sflag:$0x2] =	stream.indirect.gather [hbm4b:s1+s20], $0x80, s16, s20, $0xb8;
	[tilespmem:$0x1F900] =	vst v63  }
0x79: {  	_ =	swait.ge [sflag:s23], $0x2800  }
0x7a: {  	[sflag:s23] =	ssyncset.done $0x0  }
0x7b: {  	[sflag:s23] =	ssyncadd.s32 $0xFFFFD800  }
0x7c: {  	v0 =	vld [tilespmem:$0x3F00];
	_ =	sdelay $0x4  }
0x7d: {  	(xrf1) =	vunique.msk.u32 $0xffff, v0;
	_ =	sdelay $0xd  }
0x7e: {  	_, v1, vm0 =	vpop (xrf1);
	_ =	sdelay $0x3  }
0x7f: {  	v1 =	vcvt.s32.f32 v1;
	_ =	sdelay $0x1  }
0x80: {  	[tilespmem:v0+s17+$0x0] =	vst.idx.add.f32.msk vm0, v1  }
0x81: {  	v0 =	vld [tilespmem:$0x3F10];
	_ =	sdelay $0x4  }
0x82: {  	(xrf1) =	vunique.msk.u32 $0xffff, v0;
	_ =	sdelay $0xd  }
0x83: {  	_, v1, vm0 =	vpop (xrf1);
	_ =	sdelay $0x3  }
0x84: {  	v1 =	vcvt.s32.f32 v1;
	_ =	sdelay $0x1  }
0x85: {  	[tilespmem:v0+s17+$0x0] =	vst.idx.add.f32.msk vm0, v1  }
0x86: {  	v0 =	vld [tilespmem:$0x3F20];
	_ =	sdelay $0x4  }
0x87: {  	(xrf1) =	vunique.msk.u32 $0xffff, v0;
	_ =	sdelay $0xd  }
0x88: {  	_, v1, vm0 =	vpop (xrf1);
	_ =	sdelay $0x3  }
0x89: {  	v1 =	vcvt.s32.f32 v1;
	_ =	sdelay $0x1  }
0x8a: {  	[tilespmem:v0+s17+$0x0] =	vst.idx.add.f32.msk vm0, v1  }
0x8b: {  	v0 =	vld [tilespmem:$0x3F30];
	_ =	sdelay $0x4  }
0x8c: {  	(xrf1) =	vunique.msk.u32 $0xffff, v0;
	_ =	sdelay $0xd  }
0x8d: {  	_, v1, vm0 =	vpop (xrf1);
	_ =	sdelay $0x3  }
0x8e: {  	v1 =	vcvt.s32.f32 v1;
	_ =	sdelay $0x1  }
0x8f: {  	[tilespmem:v0+s17+$0x0] =	vst.idx.add.f32.msk vm0, v1  }
0x90: {  	v0 =	vld [tilespmem:$0x3F40];
	_ =	sdelay $0x4  }
0x91: {  	(xrf1) =	vunique.msk.u32 $0xffff, v0;
	_ =	sdelay $0xd  }
0x92: {  	_, v1, vm0 =	vpop (xrf1);
	_ =	sdelay $0x3  }
0x93: {  	v1 =	vcvt.s32.f32 v1;
	_ =	sdelay $0x1  }
0x94: {  	s0 =	simm.s32 $0x3F00;
	[tilespmem:v0+s17+$0x0] =	vst.idx.add.f32.msk vm0, v1  }
0x95: {  	[spmem:s4] =	stream.indirect.scatter.add.f32 [tilespmem:s21], [sflag:$0x5], $0x80, s0, s20, $0xb8;
	[tilespmem:$0x1F900] =	vst v63  }
0x96: {  	_ =	swait.ge [sflag:s15], $0x2800  }
0x97: {  	[sflag:s15] =	ssyncset.done $0x0  }
0x98: {  	[sflag:s15] =	ssyncadd.s32 $0xFFFFD800  }
0x99: {  	_ =	swait.ge [sflag:s25], $0x2800  }
0x9a: {  	[sflag:s25] =	ssyncset.done $0x0  }
0x9b: {  	[sflag:s25] =	ssyncadd.s32 $0xFFFFD800  }
0x9c: {  	[bflag:$0x0] =	sbarrier.arrive $0xFFFF  }
0x9d: {  	[hbm:s12], [sflag:s18] =	dma.local [spmem:s19], $0x2800  }
0x9e: {  	s29 =	sadd.s32 $0x1, s29;
	_ =	swait.ge [sflag:s15], $0x2800  }
0x9f: {  	p0 =	sne.s32 s29, s14;
	[sflag:s15] =	ssyncset.done $0x0  }
.Ltmp1:
0xa0: {  	[sflag:s15] =	ssyncadd.s32 $0xFFFFD800;
	(pc) =	sbr.rel @p0 .LBB2_1-.Ltmp1, $4  }
0xa1: {  	[hbm4b:s13+s5] =	stream.linear.scatter [tilespmem:s17], [sflag:$0x5], $0x2800, $0x38;
	[tilespmem:$0x1F900] =	vst v63  }
0xa2: {  	_ =	swait.ge [sflag:s15], $0x2800  }
0xa3: {  	[sflag:s15] =	ssyncset.done $0x0  }
0xa4: {  	[sflag:s15] =	ssyncadd.s32 $0xFFFFD800  }
0xa5: {  	_ =	sfence.sel $0x180000  }
0xa6: {  	[bflag:$0x0] =	sbarrier.arrive $0xFFFF  }
0xa7: {  	_ =	strace $0x90000047  }
0xa8: {  	s0 =	stileid.u32;
	[bflag:$0x2] =	sbarrier.arrive $0xFFFF  }
0xa9: {  	p0 =	sne.s32 s0, $0x0;
	s0 =	rddreg [dreg:$0x4]  }
0xaa: {  	s0 =	sadd.s32 @!p0 $0x100000, s0  }
0xab: {  	[sflag:s0] =	ssyncadd.tile.s32 @!p0 $0x1;
	_ =	shalt  }
.Lfunc_end2:
_tile_overlayer_lowered:
.L_overlay_start_2:
0xac: {  	(tag) =	ssettag $0x2  }
0xad: {  	s0 =	rddreg [dreg:$0x0];
	s2 =	stileid.u32  }
0xae: {  	s1 =	rddreg [dreg:$0x1];
	p0 =	sne.s32 s2, $0x0  }
0xaf: {  	s3 =	rddreg [dreg:$0x2];
	[bflag:$0x3] =	sbarrier.arrive $0xFFFF;
	s2 =	simm.s32 @!p0 $0x1C05  }
0xb0: {  	[timem:s3], [sflag:s2] =	dma.local @!p0 [hbm:s0], s1  }
0xb1: {  	s0 =	simm.s32 @!p0 $0x5  }
0xb2: {  	_ =	swait.ge @!p0 [sflag:s0], s1  }
0xb3: {  	s1 =	ssub.s32 @!p0 $0x0, s1;
	[sflag:s0] =	ssyncset.done @!p0 $0x0  }
0xb4: {  	[sflag:s0] =	ssyncadd.s32 @!p0 s1  }
0xb5: {  	[bflag:$0x3] =	sbarrier.arrive $0xFFFF  }
0xb6: {  	_ =	shalt  }

</sc_bundles>
